<compile_context>
chip_gen: v7x
topology: tpu7x:2x2x1
jax: 0.10.2.dev20260603
libtpu: 0.0.44.dev20260713+nightly
codegen_flags: <defaults>
</compile_context>

<pallas_src>
import functools

import jax
import jax.numpy as jnp
from jax import lax
from jax.experimental import pallas as pl
from jax.experimental.pallas import tpu as pltpu
from jax.experimental.pallas import tpu_sc as plsc

D_MODEL = 64
LANES = 16
NUM_WORKERS = 32
IDX_MINOR = 128
PAD_W = 128
CHUNK_ROWS = 2
CHUNK_IDS = CHUNK_ROWS * IDX_MINOR
NBUF = 2


def _sc_gather(ids2d, tab_pad):
    R = ids2d.shape[0]
    rows_per_w = R // NUM_WORKERS
    steps = rows_per_w // CHUNK_ROWS
    pairs = steps // NBUF

    mesh = plsc.VectorSubcoreMesh(core_axis_name="c", subcore_axis_name="s")

    @functools.partial(
        pl.kernel,
        mesh=mesh,
        out_type=jax.ShapeDtypeStruct((R * IDX_MINOR, PAD_W), jnp.float32),
        scratch_types=[
            pltpu.VMEM((rows_per_w, IDX_MINOR), jnp.int32),
            pltpu.VMEM((NBUF, CHUNK_IDS, PAD_W), jnp.float32),
            pltpu.SemaphoreType.DMA((NBUF,)),
            pltpu.SemaphoreType.DMA((NBUF,)),
        ],
    )
    def k(ids_hbm, tab_hbm, out_hbm, idx_v, rows_v, gat_sem, out_sem):
        cid = lax.axis_index("c")
        sid = lax.axis_index("s")
        wid = sid * 2 + cid
        rbase = wid * rows_per_w

        pltpu.sync_copy(ids_hbm.at[pl.ds(rbase, rows_per_w)], idx_v)

        def shift_ids(i):
            for j in range(CHUNK_ROWS):
                for t in range(IDX_MINOR // LANES):
                    sl = (i * CHUNK_ROWS + j, pl.ds(t * LANES, LANES))
                    idx_v[sl] = idx_v[sl] + 1

        def fire_gathers(i, b):
            for j in range(CHUNK_ROWS):
                pltpu.async_copy(
                    tab_hbm.at[idx_v.at[i * CHUNK_ROWS + j]],
                    rows_v.at[b, pl.ds(j * IDX_MINOR, IDX_MINOR)],
                    gat_sem.at[b],
                )

        def drain_gathers(b):
            for j in range(CHUNK_ROWS):
                pltpu.make_async_copy(
                    tab_hbm.at[idx_v.at[j]],
                    rows_v.at[b, pl.ds(j * IDX_MINOR, IDX_MINOR)],
                    gat_sem.at[b],
                ).wait()

        def drain_and_out(i, b):
            r0 = rbase + i * CHUNK_ROWS
            for j in range(CHUNK_ROWS):
                pltpu.make_async_copy(
                    tab_hbm.at[idx_v.at[j]],
                    rows_v.at[b, pl.ds(j * IDX_MINOR, IDX_MINOR)],
                    gat_sem.at[b],
                ).wait()
                pltpu.async_copy(
                    rows_v.at[b, pl.ds(j * IDX_MINOR, IDX_MINOR)],
                    out_hbm.at[pl.ds((r0 + j) * IDX_MINOR, IDX_MINOR)],
                    out_sem.at[b])

        def out_start(i, b):
            r0 = rbase + i * CHUNK_ROWS
            pltpu.async_copy(
                rows_v.at[b],
                out_hbm.at[pl.ds(r0 * IDX_MINOR, CHUNK_IDS)],
                out_sem.at[b])

        def out_wait(b):
            pltpu.make_async_copy(
                rows_v.at[b],
                out_hbm.at[pl.ds(0, CHUNK_IDS)],
                out_sem.at[b],
            ).wait()

        def pair_body(p, carry):
            for b in range(NBUF):
                i = p * NBUF + b
                shift_ids(i)
                @pl.when(p >= 1)
                def _():
                    out_wait(b)
                fire_gathers(i, b)
                if b == 0:
                    @pl.when(p >= 1)
                    def _():
                        drain_and_out(i - 1, 1)
                else:
                    drain_and_out(i - 1, 0)
            return carry

        lax.fori_loop(0, pairs, pair_body, 0)

        drain_and_out(steps - 1, 1)
        out_wait(0)
        out_wait(1)

    return k(ids2d, tab_pad)


def kernel(dense_ids, emb_weight):
    batch, hist = dense_ids.shape
    ids2d = dense_ids.astype(jnp.int32).reshape(-1, IDX_MINOR)
    n_rows = emb_weight.shape[0]
    pad_rows = (-n_rows) % 8
    tab_pad = jnp.pad(
        emb_weight, ((0, pad_rows), (0, PAD_W - emb_weight.shape[1])))
    out = _sc_gather(ids2d, tab_pad)
    return out[:, :D_MODEL].reshape(batch, hist, D_MODEL)

# --- scband reference (transcript-rebuilt; emitter-appended) ---
"""Pipeline reference for scband-trainable-item-encoder-7112465842660 (READ-ONLY COPY).

The authoritative reference and input builder live on the scoring server;
editing this copy changes nothing except your own understanding.
"""

import jax, jax.numpy as jnp
import numpy as np

N_ITEMS = 1000000
D_MODEL = 64
BATCH = 4096
HIST_LEN = 200
INIT_RANGE = 0.02


def setup_inputs(seed: int = 0) -> dict:
    key = jax.random.key(seed)
    k_idx, k_w = jax.random.split(key)
    dense_ids = jax.random.randint(k_idx, (BATCH, HIST_LEN), 0, N_ITEMS, dtype=jnp.int64 if jax.config.jax_enable_x64 else jnp.int32)
    # trunc_normal init in [-2*std, 2*std], std = init_range
    w = jax.random.truncated_normal(k_w, -2.0, 2.0, (N_ITEMS + 1, D_MODEL), dtype=jnp.float32) * INIT_RANGE
    # padding row 0 zeroed
    w = w.at[0].set(0.0)
    return {"dense_ids": dense_ids, "emb_weight": w}


def reference(dense_ids, emb_weight):
    # SASRec trainable item encoder: shift ids by +1 (row 0 reserved for padding)
    return jnp.take(emb_weight, dense_ids + 1, axis=0)

if __name__ == "__main__":
    import jax
    _d = setup_inputs()
    print(jax.jit(kernel)(*tuple(_d.values())))

</pallas_src>

<mosaic_0001>
#map = affine_map<(d0, d1) -> (0, 0)>
module attributes {stable_mosaic.version = 14 : i64} {
  func.func @k(%arg0: i32, %arg1: i32, %arg2: memref<6400x128xi32, #tpu.memory_space<hbm>>, %arg3: memref<1000008x128xf32, #tpu.memory_space<hbm>>, %arg4: memref<819200x128xf32, #tpu.memory_space<hbm>>, %arg5: memref<200x128xi32, #tpu.memory_space<vmem>>, %arg6: memref<2x256x128xf32, #tpu.memory_space<vmem>>, %arg7: memref<2x!tpu.dma_semaphore, #tpu.memory_space<semaphore_mem>>, %arg8: memref<2x!tpu.dma_semaphore, #tpu.memory_space<semaphore_mem>>) attributes {dimension_semantics = [#tpu.dimension_semantics<core_parallel>, #tpu.dimension_semantics<subcore_parallel>], iteration_bounds = array<i64: 2, 16>, scalar_prefetch = 0 : i64, scratch_operands = 4 : i64, tpu.core_type = #tpu.core_type<sc_vector_subcore>, window_params = [{transform_indices = #map}, {transform_indices = #map}, {transform_indices = #map}]} {
    %mul3A = arith.constant 2 : i32
    %mul3A_0 = arith.muli %arg1, %mul3A : i32
    %add3A = arith.addi %mul3A_0, %arg0 : i32
    %mul3A_1 = arith.constant 200 : i32
    %mul3A_2 = arith.muli %add3A, %mul3A_1 : i32
    "tpu.region"() ({
      %run_scoped3A = tpu.sem_alloc : memref<!tpu.dma_semaphore, #tpu.memory_space<semaphore_mem>>
      %dma_start3A_114 = arith.constant 0 : i32
      %dma_start3A_115 = tpu.memref_slice %arg2[%mul3A_2, %dma_start3A_114] : memref<6400x128xi32, #tpu.memory_space<hbm>> -> memref<200x128xi32, #tpu.memory_space<hbm>>
      %dma_start3A_116 = arith.constant 0 : i32
      %dma_start3A_117 = tpu.memref_slice %arg2[%mul3A_2, %dma_start3A_116] : memref<6400x128xi32, #tpu.memory_space<hbm>> -> memref<200x128xi32, #tpu.memory_space<hbm>>
      tpu.enqueue_dma source(%dma_start3A_117 : memref<200x128xi32, #tpu.memory_space<hbm>>) target(%arg5 : memref<200x128xi32, #tpu.memory_space<vmem>>) target_semaphore(%run_scoped3A : memref<!tpu.dma_semaphore, #tpu.memory_space<semaphore_mem>>)
      %dma_wait3A_118 = arith.constant 0 : i32
      %dma_wait3A_119 = tpu.memref_slice %arg2[%mul3A_2, %dma_wait3A_118] : memref<6400x128xi32, #tpu.memory_space<hbm>> -> memref<200x128xi32, #tpu.memory_space<hbm>>
      %dma_wait3A_120 = arith.constant 0 : i32
      %dma_wait3A_121 = tpu.memref_slice %arg2[%mul3A_2, %dma_wait3A_120] : memref<6400x128xi32, #tpu.memory_space<hbm>> -> memref<200x128xi32, #tpu.memory_space<hbm>>
      tpu.wait_dma2 semaphore(%run_scoped3A : memref<!tpu.dma_semaphore, #tpu.memory_space<semaphore_mem>>) src(%dma_wait3A_121 : memref<200x128xi32, #tpu.memory_space<hbm>>) dst(%arg5 : memref<200x128xi32, #tpu.memory_space<vmem>>)
      tpu.yield
    }) : () -> ()
    %scan3A = arith.constant 0 : i32
    %scan3A_3 = arith.constant 0 : i32
    %scan3A_4 = arith.constant 50 : i32
    %scan3A_5 = arith.addi %scan3A_3, %scan3A_4 : i32
    %scan3A_6 = arith.constant 1 : i32
    scf.for %scan3A_114 = %scan3A_3 to %scan3A_5 step %scan3A_6  : i32 {
      %mul3A_115 = arith.constant 2 : i32
      %mul3A_116 = arith.muli %scan3A_114, %mul3A_115 : i32
      %add3A_117 = arith.constant 0 : i32
      %add3A_118 = arith.addi %mul3A_116, %add3A_117 : i32
      %mul3A_119 = arith.constant 2 : i32
      %mul3A_120 = arith.muli %add3A_118, %mul3A_119 : i32
      %add3A_121 = arith.constant 0 : i32
      %add3A_122 = arith.addi %mul3A_120, %add3A_121 : i32
      %get3A = arith.index_cast %add3A_122 : i32 to index
      %get3A_123 = arith.constant 0 : index
      %get3A_124 = tpu.vector_load %arg5[%get3A, %get3A_123] {strides = array<i32>} : memref<200x128xi32, #tpu.memory_space<vmem>>, vector<1x16xi32>,
      %get3A_125 = vector.shape_cast %get3A_124 : vector<1x16xi32> to vector<16xi32>
      %add3A_126 = arith.constant 1 : i32
      %add3A_127 = vector.broadcast %add3A_126 : i32 to vector<16xi32>
      %add3A_128 = arith.addi %get3A_125, %add3A_127 : vector<16xi32>
      %swap3A = arith.index_cast %add3A_122 : i32 to index
      %swap3A_129 = arith.constant 0 : index
      %swap3A_130 = tpu.vector_load %arg5[%swap3A, %swap3A_129] {strides = array<i32>} : memref<200x128xi32, #tpu.memory_space<vmem>>, vector<1x16xi32>,
      %swap3A_131 = vector.shape_cast %swap3A_130 : vector<1x16xi32> to vector<16xi32>
      %swap3A_132 = vector.shape_cast %add3A_128 : vector<16xi32> to vector<1x16xi32>
      tpu.vector_store %arg5[%swap3A, %swap3A_129], %swap3A_132 {strides = array<i32>} : memref<200x128xi32, #tpu.memory_space<vmem>>, vector<1x16xi32>,
      %mul3A_133 = arith.constant 2 : i32
      %mul3A_134 = arith.muli %add3A_118, %mul3A_133 : i32
      %add3A_135 = arith.constant 0 : i32
      %add3A_136 = arith.addi %mul3A_134, %add3A_135 : i32
      %get3A_137 = arith.index_cast %add3A_136 : i32 to index
      %get3A_138 = arith.constant 16 : index
      %get3A_139 = tpu.vector_load %arg5[%get3A_137, %get3A_138] {strides = array<i32>} : memref<200x128xi32, #tpu.memory_space<vmem>>, vector<1x16xi32>,
      %get3A_140 = vector.shape_cast %get3A_139 : vector<1x16xi32> to vector<16xi32>
      %add3A_141 = arith.constant 1 : i32
      %add3A_142 = vector.broadcast %add3A_141 : i32 to vector<16xi32>
      %add3A_143 = arith.addi %get3A_140, %add3A_142 : vector<16xi32>
      %swap3A_144 = arith.index_cast %add3A_136 : i32 to index
      %swap3A_145 = arith.constant 16 : index
      %swap3A_146 = tpu.vector_load %arg5[%swap3A_144, %swap3A_145] {strides = array<i32>} : memref<200x128xi32, #tpu.memory_space<vmem>>, vector<1x16xi32>,
      %swap3A_147 = vector.shape_cast %swap3A_146 : vector<1x16xi32> to vector<16xi32>
      %swap3A_148 = vector.shape_cast %add3A_143 : vector<16xi32> to vector<1x16xi32>
      tpu.vector_store %arg5[%swap3A_144, %swap3A_145], %swap3A_148 {strides = array<i32>} : memref<200x128xi32, #tpu.memory_space<vmem>>, vector<1x16xi32>,
      %mul3A_149 = arith.constant 2 : i32
      %mul3A_150 = arith.muli %add3A_118, %mul3A_149 : i32
      %add3A_151 = arith.constant 0 : i32
      %add3A_152 = arith.addi %mul3A_150, %add3A_151 : i32
      %get3A_153 = arith.index_cast %add3A_152 : i32 to index
      %get3A_154 = arith.constant 32 : index
      %get3A_155 = tpu.vector_load %arg5[%get3A_153, %get3A_154] {strides = array<i32>} : memref<200x128xi32, #tpu.memory_space<vmem>>, vector<1x16xi32>,
      %get3A_156 = vector.shape_cast %get3A_155 : vector<1x16xi32> to vector<16xi32>
      %add3A_157 = arith.constant 1 : i32
      %add3A_158 = vector.broadcast %add3A_157 : i32 to vector<16xi32>
      %add3A_159 = arith.addi %get3A_156, %add3A_158 : vector<16xi32>
      %swap3A_160 = arith.index_cast %add3A_152 : i32 to index
      %swap3A_161 = arith.constant 32 : index
      %swap3A_162 = tpu.vector_load %arg5[%swap3A_160, %swap3A_161] {strides = array<i32>} : memref<200x128xi32, #tpu.memory_space<vmem>>, vector<1x16xi32>,
      %swap3A_163 = vector.shape_cast %swap3A_162 : vector<1x16xi32> to vector<16xi32>
      %swap3A_164 = vector.shape_cast %add3A_159 : vector<16xi32> to vector<1x16xi32>
      tpu.vector_store %arg5[%swap3A_160, %swap3A_161], %swap3A_164 {strides = array<i32>} : memref<200x128xi32, #tpu.memory_space<vmem>>, vector<1x16xi32>,
      %mul3A_165 = arith.constant 2 : i32
      %mul3A_166 = arith.muli %add3A_118, %mul3A_165 : i32
      %add3A_167 = arith.constant 0 : i32
      %add3A_168 = arith.addi %mul3A_166, %add3A_167 : i32
      %get3A_169 = arith.index_cast %add3A_168 : i32 to index
      %get3A_170 = arith.constant 48 : index
      %get3A_171 = tpu.vector_load %arg5[%get3A_169, %get3A_170] {strides = array<i32>} : memref<200x128xi32, #tpu.memory_space<vmem>>, vector<1x16xi32>,
      %get3A_172 = vector.shape_cast %get3A_171 : vector<1x16xi32> to vector<16xi32>
      %add3A_173 = arith.constant 1 : i32
      %add3A_174 = vector.broadcast %add3A_173 : i32 to vector<16xi32>
      %add3A_175 = arith.addi %get3A_172, %add3A_174 : vector<16xi32>
      %swap3A_176 = arith.index_cast %add3A_168 : i32 to index
      %swap3A_177 = arith.constant 48 : index
      %swap3A_178 = tpu.vector_load %arg5[%swap3A_176, %swap3A_177] {strides = array<i32>} : memref<200x128xi32, #tpu.memory_space<vmem>>, vector<1x16xi32>,
      %swap3A_179 = vector.shape_cast %swap3A_178 : vector<1x16xi32> to vector<16xi32>
      %swap3A_180 = vector.shape_cast %add3A_175 : vector<16xi32> to vector<1x16xi32>
      tpu.vector_store %arg5[%swap3A_176, %swap3A_177], %swap3A_180 {strides = array<i32>} : memref<200x128xi32, #tpu.memory_space<vmem>>, vector<1x16xi32>,
      %mul3A_181 = arith.constant 2 : i32
      %mul3A_182 = arith.muli %add3A_118, %mul3A_181 : i32
      %add3A_183 = arith.constant 0 : i32
      %add3A_184 = arith.addi %mul3A_182, %add3A_183 : i32
      %get3A_185 = arith.index_cast %add3A_184 : i32 to index
      %get3A_186 = arith.constant 64 : index
      %get3A_187 = tpu.vector_load %arg5[%get3A_185, %get3A_186] {strides = array<i32>} : memref<200x128xi32, #tpu.memory_space<vmem>>, vector<1x16xi32>,
      %get3A_188 = vector.shape_cast %get3A_187 : vector<1x16xi32> to vector<16xi32>
      %add3A_189 = arith.constant 1 : i32
      %add3A_190 = vector.broadcast %add3A_189 : i32 to vector<16xi32>
      %add3A_191 = arith.addi %get3A_188, %add3A_190 : vector<16xi32>
      %swap3A_192 = arith.index_cast %add3A_184 : i32 to index
      %swap3A_193 = arith.constant 64 : index
      %swap3A_194 = tpu.vector_load %arg5[%swap3A_192, %swap3A_193] {strides = array<i32>} : memref<200x128xi32, #tpu.memory_space<vmem>>, vector<1x16xi32>,
      %swap3A_195 = vector.shape_cast %swap3A_194 : vector<1x16xi32> to vector<16xi32>
      %swap3A_196 = vector.shape_cast %add3A_191 : vector<16xi32> to vector<1x16xi32>
      tpu.vector_store %arg5[%swap3A_192, %swap3A_193], %swap3A_196 {strides = array<i32>} : memref<200x128xi32, #tpu.memory_space<vmem>>, vector<1x16xi32>,
      %mul3A_197 = arith.constant 2 : i32
      %mul3A_198 = arith.muli %add3A_118, %mul3A_197 : i32
      %add3A_199 = arith.constant 0 : i32
      %add3A_200 = arith.addi %mul3A_198, %add3A_199 : i32
      %get3A_201 = arith.index_cast %add3A_200 : i32 to index
      %get3A_202 = arith.constant 80 : index
      %get3A_203 = tpu.vector_load %arg5[%get3A_201, %get3A_202] {strides = array<i32>} : memref<200x128xi32, #tpu.memory_space<vmem>>, vector<1x16xi32>,
      %get3A_204 = vector.shape_cast %get3A_203 : vector<1x16xi32> to vector<16xi32>
      %add3A_205 = arith.constant 1 : i32
      %add3A_206 = vector.broadcast %add3A_205 : i32 to vector<16xi32>
      %add3A_207 = arith.addi %get3A_204, %add3A_206 : vector<16xi32>
      %swap3A_208 = arith.index_cast %add3A_200 : i32 to index
      %swap3A_209 = arith.constant 80 : index
      %swap3A_210 = tpu.vector_load %arg5[%swap3A_208, %swap3A_209] {strides = array<i32>} : memref<200x128xi32, #tpu.memory_space<vmem>>, vector<1x16xi32>,
      %swap3A_211 = vector.shape_cast %swap3A_210 : vector<1x16xi32> to vector<16xi32>
      %swap3A_212 = vector.shape_cast %add3A_207 : vector<16xi32> to vector<1x16xi32>
      tpu.vector_store %arg5[%swap3A_208, %swap3A_209], %swap3A_212 {strides = array<i32>} : memref<200x128xi32, #tpu.memory_space<vmem>>, vector<1x16xi32>,
      %mul3A_213 = arith.constant 2 : i32
      %mul3A_214 = arith.muli %add3A_118, %mul3A_213 : i32
      %add3A_215 = arith.constant 0 : i32
      %add3A_216 = arith.addi %mul3A_214, %add3A_215 : i32
      %get3A_217 = arith.index_cast %add3A_216 : i32 to index
      %get3A_218 = arith.constant 96 : index
      %get3A_219 = tpu.vector_load %arg5[%get3A_217, %get3A_218] {strides = array<i32>} : memref<200x128xi32, #tpu.memory_space<vmem>>, vector<1x16xi32>,
      %get3A_220 = vector.shape_cast %get3A_219 : vector<1x16xi32> to vector<16xi32>
      %add3A_221 = arith.constant 1 : i32
      %add3A_222 = vector.broadcast %add3A_221 : i32 to vector<16xi32>
      %add3A_223 = arith.addi %get3A_220, %add3A_222 : vector<16xi32>
      %swap3A_224 = arith.index_cast %add3A_216 : i32 to index
      %swap3A_225 = arith.constant 96 : index
      %swap3A_226 = tpu.vector_load %arg5[%swap3A_224, %swap3A_225] {strides = array<i32>} : memref<200x128xi32, #tpu.memory_space<vmem>>, vector<1x16xi32>,
      %swap3A_227 = vector.shape_cast %swap3A_226 : vector<1x16xi32> to vector<16xi32>
      %swap3A_228 = vector.shape_cast %add3A_223 : vector<16xi32> to vector<1x16xi32>
      tpu.vector_store %arg5[%swap3A_224, %swap3A_225], %swap3A_228 {strides = array<i32>} : memref<200x128xi32, #tpu.memory_space<vmem>>, vector<1x16xi32>,
      %mul3A_229 = arith.constant 2 : i32
      %mul3A_230 = arith.muli %add3A_118, %mul3A_229 : i32
      %add3A_231 = arith.constant 0 : i32
      %add3A_232 = arith.addi %mul3A_230, %add3A_231 : i32
      %get3A_233 = arith.index_cast %add3A_232 : i32 to index
      %get3A_234 = arith.constant 112 : index
      %get3A_235 = tpu.vector_load %arg5[%get3A_233, %get3A_234] {strides = array<i32>} : memref<200x128xi32, #tpu.memory_space<vmem>>, vector<1x16xi32>,
      %get3A_236 = vector.shape_cast %get3A_235 : vector<1x16xi32> to vector<16xi32>
      %add3A_237 = arith.constant 1 : i32
      %add3A_238 = vector.broadcast %add3A_237 : i32 to vector<16xi32>
      %add3A_239 = arith.addi %get3A_236, %add3A_238 : vector<16xi32>
      %swap3A_240 = arith.index_cast %add3A_232 : i32 to index
      %swap3A_241 = arith.constant 112 : index
      %swap3A_242 = tpu.vector_load %arg5[%swap3A_240, %swap3A_241] {strides = array<i32>} : memref<200x128xi32, #tpu.memory_space<vmem>>, vector<1x16xi32>,
      %swap3A_243 = vector.shape_cast %swap3A_242 : vector<1x16xi32> to vector<16xi32>
      %swap3A_244 = vector.shape_cast %add3A_239 : vector<16xi32> to vector<1x16xi32>
      tpu.vector_store %arg5[%swap3A_240, %swap3A_241], %swap3A_244 {strides = array<i32>} : memref<200x128xi32, #tpu.memory_space<vmem>>, vector<1x16xi32>,
      %mul3A_245 = arith.constant 2 : i32
      %mul3A_246 = arith.muli %add3A_118, %mul3A_245 : i32
      %add3A_247 = arith.constant 1 : i32
      %add3A_248 = arith.addi %mul3A_246, %add3A_247 : i32
      %get3A_249 = arith.index_cast %add3A_248 : i32 to index
      %get3A_250 = arith.constant 0 : index
      %get3A_251 = tpu.vector_load %arg5[%get3A_249, %get3A_250] {strides = array<i32>} : memref<200x128xi32, #tpu.memory_space<vmem>>, vector<1x16xi32>,
      %get3A_252 = vector.shape_cast %get3A_251 : vector<1x16xi32> to vector<16xi32>
      %add3A_253 = arith.constant 1 : i32
      %add3A_254 = vector.broadcast %add3A_253 : i32 to vector<16xi32>
      %add3A_255 = arith.addi %get3A_252, %add3A_254 : vector<16xi32>
      %swap3A_256 = arith.index_cast %add3A_248 : i32 to index
      %swap3A_257 = arith.constant 0 : index
      %swap3A_258 = tpu.vector_load %arg5[%swap3A_256, %swap3A_257] {strides = array<i32>} : memref<200x128xi32, #tpu.memory_space<vmem>>, vector<1x16xi32>,
      %swap3A_259 = vector.shape_cast %swap3A_258 : vector<1x16xi32> to vector<16xi32>
      %swap3A_260 = vector.shape_cast %add3A_255 : vector<16xi32> to vector<1x16xi32>
      tpu.vector_store %arg5[%swap3A_256, %swap3A_257], %swap3A_260 {strides = array<i32>} : memref<200x128xi32, #tpu.memory_space<vmem>>, vector<1x16xi32>,
      %mul3A_261 = arith.constant 2 : i32
      %mul3A_262 = arith.muli %add3A_118, %mul3A_261 : i32
      %add3A_263 = arith.constant 1 : i32
      %add3A_264 = arith.addi %mul3A_262, %add3A_263 : i32
      %get3A_265 = arith.index_cast %add3A_264 : i32 to index
      %get3A_266 = arith.constant 16 : index
      %get3A_267 = tpu.vector_load %arg5[%get3A_265, %get3A_266] {strides = array<i32>} : memref<200x128xi32, #tpu.memory_space<vmem>>, vector<1x16xi32>,
      %get3A_268 = vector.shape_cast %get3A_267 : vector<1x16xi32> to vector<16xi32>
      %add3A_269 = arith.constant 1 : i32
      %add3A_270 = vector.broadcast %add3A_269 : i32 to vector<16xi32>
      %add3A_271 = arith.addi %get3A_268, %add3A_270 : vector<16xi32>
      %swap3A_272 = arith.index_cast %add3A_264 : i32 to index
      %swap3A_273 = arith.constant 16 : index
      %swap3A_274 = tpu.vector_load %arg5[%swap3A_272, %swap3A_273] {strides = array<i32>} : memref<200x128xi32, #tpu.memory_space<vmem>>, vector<1x16xi32>,
      %swap3A_275 = vector.shape_cast %swap3A_274 : vector<1x16xi32> to vector<16xi32>
      %swap3A_276 = vector.shape_cast %add3A_271 : vector<16xi32> to vector<1x16xi32>
      tpu.vector_store %arg5[%swap3A_272, %swap3A_273], %swap3A_276 {strides = array<i32>} : memref<200x128xi32, #tpu.memory_space<vmem>>, vector<1x16xi32>,
      %mul3A_277 = arith.constant 2 : i32
      %mul3A_278 = arith.muli %add3A_118, %mul3A_277 : i32
      %add3A_279 = arith.constant 1 : i32
      %add3A_280 = arith.addi %mul3A_278, %add3A_279 : i32
      %get3A_281 = arith.index_cast %add3A_280 : i32 to index
      %get3A_282 = arith.constant 32 : index
      %get3A_283 = tpu.vector_load %arg5[%get3A_281, %get3A_282] {strides = array<i32>} : memref<200x128xi32, #tpu.memory_space<vmem>>, vector<1x16xi32>,
      %get3A_284 = vector.shape_cast %get3A_283 : vector<1x16xi32> to vector<16xi32>
      %add3A_285 = arith.constant 1 : i32
      %add3A_286 = vector.broadcast %add3A_285 : i32 to vector<16xi32>
      %add3A_287 = arith.addi %get3A_284, %add3A_286 : vector<16xi32>
      %swap3A_288 = arith.index_cast %add3A_280 : i32 to index
      %swap3A_289 = arith.constant 32 : index
      %swap3A_290 = tpu.vector_load %arg5[%swap3A_288, %swap3A_289] {strides = array<i32>} : memref<200x128xi32, #tpu.memory_space<vmem>>, vector<1x16xi32>,
      %swap3A_291 = vector.shape_cast %swap3A_290 : vector<1x16xi32> to vector<16xi32>
      %swap3A_292 = vector.shape_cast %add3A_287 : vector<16xi32> to vector<1x16xi32>
      tpu.vector_store %arg5[%swap3A_288, %swap3A_289], %swap3A_292 {strides = array<i32>} : memref<200x128xi32, #tpu.memory_space<vmem>>, vector<1x16xi32>,
      %mul3A_293 = arith.constant 2 : i32
      %mul3A_294 = arith.muli %add3A_118, %mul3A_293 : i32
      %add3A_295 = arith.constant 1 : i32
      %add3A_296 = arith.addi %mul3A_294, %add3A_295 : i32
      %get3A_297 = arith.index_cast %add3A_296 : i32 to index
      %get3A_298 = arith.constant 48 : index
      %get3A_299 = tpu.vector_load %arg5[%get3A_297, %get3A_298] {strides = array<i32>} : memref<200x128xi32, #tpu.memory_space<vmem>>, vector<1x16xi32>,
      %get3A_300 = vector.shape_cast %get3A_299 : vector<1x16xi32> to vector<16xi32>
      %add3A_301 = arith.constant 1 : i32
      %add3A_302 = vector.broadcast %add3A_301 : i32 to vector<16xi32>
      %add3A_303 = arith.addi %get3A_300, %add3A_302 : vector<16xi32>
      %swap3A_304 = arith.index_cast %add3A_296 : i32 to index
      %swap3A_305 = arith.constant 48 : index
      %swap3A_306 = tpu.vector_load %arg5[%swap3A_304, %swap3A_305] {strides = array<i32>} : memref<200x128xi32, #tpu.memory_space<vmem>>, vector<1x16xi32>,
      %swap3A_307 = vector.shape_cast %swap3A_306 : vector<1x16xi32> to vector<16xi32>
      %swap3A_308 = vector.shape_cast %add3A_303 : vector<16xi32> to vector<1x16xi32>
      tpu.vector_store %arg5[%swap3A_304, %swap3A_305], %swap3A_308 {strides = array<i32>} : memref<200x128xi32, #tpu.memory_space<vmem>>, vector<1x16xi32>,
      %mul3A_309 = arith.constant 2 : i32
      %mul3A_310 = arith.muli %add3A_118, %mul3A_309 : i32
      %add3A_311 = arith.constant 1 : i32
      %add3A_312 = arith.addi %mul3A_310, %add3A_311 : i32
      %get3A_313 = arith.index_cast %add3A_312 : i32 to index
      %get3A_314 = arith.constant 64 : index
      %get3A_315 = tpu.vector_load %arg5[%get3A_313, %get3A_314] {strides = array<i32>} : memref<200x128xi32, #tpu.memory_space<vmem>>, vector<1x16xi32>,
      %get3A_316 = vector.shape_cast %get3A_315 : vector<1x16xi32> to vector<16xi32>
      %add3A_317 = arith.constant 1 : i32
      %add3A_318 = vector.broadcast %add3A_317 : i32 to vector<16xi32>
      %add3A_319 = arith.addi %get3A_316, %add3A_318 : vector<16xi32>
      %swap3A_320 = arith.index_cast %add3A_312 : i32 to index
      %swap3A_321 = arith.constant 64 : index
      %swap3A_322 = tpu.vector_load %arg5[%swap3A_320, %swap3A_321] {strides = array<i32>} : memref<200x128xi32, #tpu.memory_space<vmem>>, vector<1x16xi32>,
      %swap3A_323 = vector.shape_cast %swap3A_322 : vector<1x16xi32> to vector<16xi32>
      %swap3A_324 = vector.shape_cast %add3A_319 : vector<16xi32> to vector<1x16xi32>
      tpu.vector_store %arg5[%swap3A_320, %swap3A_321], %swap3A_324 {strides = array<i32>} : memref<200x128xi32, #tpu.memory_space<vmem>>, vector<1x16xi32>,
      %mul3A_325 = arith.constant 2 : i32
      %mul3A_326 = arith.muli %add3A_118, %mul3A_325 : i32
      %add3A_327 = arith.constant 1 : i32
      %add3A_328 = arith.addi %mul3A_326, %add3A_327 : i32
      %get3A_329 = arith.index_cast %add3A_328 : i32 to index
      %get3A_330 = arith.constant 80 : index
      %get3A_331 = tpu.vector_load %arg5[%get3A_329, %get3A_330] {strides = array<i32>} : memref<200x128xi32, #tpu.memory_space<vmem>>, vector<1x16xi32>,
      %get3A_332 = vector.shape_cast %get3A_331 : vector<1x16xi32> to vector<16xi32>
      %add3A_333 = arith.constant 1 : i32
      %add3A_334 = vector.broadcast %add3A_333 : i32 to vector<16xi32>
      %add3A_335 = arith.addi %get3A_332, %add3A_334 : vector<16xi32>
      %swap3A_336 = arith.index_cast %add3A_328 : i32 to index
      %swap3A_337 = arith.constant 80 : index
      %swap3A_338 = tpu.vector_load %arg5[%swap3A_336, %swap3A_337] {strides = array<i32>} : memref<200x128xi32, #tpu.memory_space<vmem>>, vector<1x16xi32>,
      %swap3A_339 = vector.shape_cast %swap3A_338 : vector<1x16xi32> to vector<16xi32>
      %swap3A_340 = vector.shape_cast %add3A_335 : vector<16xi32> to vector<1x16xi32>
      tpu.vector_store %arg5[%swap3A_336, %swap3A_337], %swap3A_340 {strides = array<i32>} : memref<200x128xi32, #tpu.memory_space<vmem>>, vector<1x16xi32>,
      %mul3A_341 = arith.constant 2 : i32
      %mul3A_342 = arith.muli %add3A_118, %mul3A_341 : i32
      %add3A_343 = arith.constant 1 : i32
      %add3A_344 = arith.addi %mul3A_342, %add3A_343 : i32
      %get3A_345 = arith.index_cast %add3A_344 : i32 to index
      %get3A_346 = arith.constant 96 : index
      %get3A_347 = tpu.vector_load %arg5[%get3A_345, %get3A_346] {strides = array<i32>} : memref<200x128xi32, #tpu.memory_space<vmem>>, vector<1x16xi32>,
      %get3A_348 = vector.shape_cast %get3A_347 : vector<1x16xi32> to vector<16xi32>
      %add3A_349 = arith.constant 1 : i32
      %add3A_350 = vector.broadcast %add3A_349 : i32 to vector<16xi32>
      %add3A_351 = arith.addi %get3A_348, %add3A_350 : vector<16xi32>
      %swap3A_352 = arith.index_cast %add3A_344 : i32 to index
      %swap3A_353 = arith.constant 96 : index
      %swap3A_354 = tpu.vector_load %arg5[%swap3A_352, %swap3A_353] {strides = array<i32>} : memref<200x128xi32, #tpu.memory_space<vmem>>, vector<1x16xi32>,
      %swap3A_355 = vector.shape_cast %swap3A_354 : vector<1x16xi32> to vector<16xi32>
      %swap3A_356 = vector.shape_cast %add3A_351 : vector<16xi32> to vector<1x16xi32>
      tpu.vector_store %arg5[%swap3A_352, %swap3A_353], %swap3A_356 {strides = array<i32>} : memref<200x128xi32, #tpu.memory_space<vmem>>, vector<1x16xi32>,
      %mul3A_357 = arith.constant 2 : i32
      %mul3A_358 = arith.muli %add3A_118, %mul3A_357 : i32
      %add3A_359 = arith.constant 1 : i32
      %add3A_360 = arith.addi %mul3A_358, %add3A_359 : i32
      %get3A_361 = arith.index_cast %add3A_360 : i32 to index
      %get3A_362 = arith.constant 112 : index
      %get3A_363 = tpu.vector_load %arg5[%get3A_361, %get3A_362] {strides = array<i32>} : memref<200x128xi32, #tpu.memory_space<vmem>>, vector<1x16xi32>,
      %get3A_364 = vector.shape_cast %get3A_363 : vector<1x16xi32> to vector<16xi32>
      %add3A_365 = arith.constant 1 : i32
      %add3A_366 = vector.broadcast %add3A_365 : i32 to vector<16xi32>
      %add3A_367 = arith.addi %get3A_364, %add3A_366 : vector<16xi32>
      %swap3A_368 = arith.index_cast %add3A_360 : i32 to index
      %swap3A_369 = arith.constant 112 : index
      %swap3A_370 = tpu.vector_load %arg5[%swap3A_368, %swap3A_369] {strides = array<i32>} : memref<200x128xi32, #tpu.memory_space<vmem>>, vector<1x16xi32>,
      %swap3A_371 = vector.shape_cast %swap3A_370 : vector<1x16xi32> to vector<16xi32>
      %swap3A_372 = vector.shape_cast %add3A_367 : vector<16xi32> to vector<1x16xi32>
      tpu.vector_store %arg5[%swap3A_368, %swap3A_369], %swap3A_372 {strides = array<i32>} : memref<200x128xi32, #tpu.memory_space<vmem>>, vector<1x16xi32>,
      %ge3A = arith.constant 1 : i32
      %ge3A_373 = arith.cmpi sge, %scan3A_114, %ge3A : i32
      %convert_element_type3A = arith.extui %ge3A_373 : i1 to i32
      %cond3A = arith.constant 0 : i32
      %cond3A_374 = arith.cmpi ne, %convert_element_type3A, %cond3A : i32
      scf.if %cond3A_374 {
        %dma_wait3A_791 = arith.constant 0 : i32
        %dma_wait3A_792 = arith.constant 0 : i32
        %dma_wait3A_793 = arith.constant 0 : i32
        %dma_wait3A_794 = arith.constant 0 : i32
        %dma_wait3A_795 = tpu.memref_slice %arg6[%dma_wait3A_791, %dma_wait3A_793, %dma_wait3A_794] : memref<2x256x128xf32, #tpu.memory_space<vmem>> -> memref<1x256x128xf32, #tpu.memory_space<vmem>>
        %dma_wait3A_796 = tpu.memref_squeeze %dma_wait3A_795 : memref<1x256x128xf32, #tpu.memory_space<vmem>> -> memref<256x128xf32, #tpu.memory_space<vmem>>
        %dma_wait3A_797 = arith.constant 0 : i32
        %dma_wait3A_798 = arith.constant 0 : i32
        %dma_wait3A_799 = tpu.memref_slice %arg4[%dma_wait3A_797, %dma_wait3A_798] : memref<819200x128xf32, #tpu.memory_space<hbm>> -> memref<256x128xf32, #tpu.memory_space<hbm>>
        %dma_wait3A_800 = tpu.memref_slice %arg8[%dma_wait3A_792] : memref<2x!tpu.dma_semaphore, #tpu.memory_space<semaphore_mem>> -> memref<1x!tpu.dma_semaphore, #tpu.memory_space<semaphore_mem>>
        %dma_wait3A_801 = tpu.memref_squeeze %dma_wait3A_800 : memref<1x!tpu.dma_semaphore, #tpu.memory_space<semaphore_mem>> -> memref<!tpu.dma_semaphore, #tpu.memory_space<semaphore_mem>>
        %dma_wait3A_802 = arith.constant 0 : i32
        %dma_wait3A_803 = arith.constant 0 : i32
        %dma_wait3A_804 = tpu.memref_slice %arg4[%dma_wait3A_802, %dma_wait3A_803] : memref<819200x128xf32, #tpu.memory_space<hbm>> -> memref<256x128xf32, #tpu.memory_space<hbm>>
        %dma_wait3A_805 = arith.constant 0 : i32
        %dma_wait3A_806 = arith.constant 0 : i32
        %dma_wait3A_807 = tpu.memref_slice %arg6[%dma_wait3A_791, %dma_wait3A_805, %dma_wait3A_806] : memref<2x256x128xf32, #tpu.memory_space<vmem>> -> memref<1x256x128xf32, #tpu.memory_space<vmem>>
        %dma_wait3A_808 = tpu.memref_squeeze %dma_wait3A_807 : memref<1x256x128xf32, #tpu.memory_space<vmem>> -> memref<256x128xf32, #tpu.memory_space<vmem>>
        tpu.wait_dma2 semaphore(%dma_wait3A_801 : memref<!tpu.dma_semaphore, #tpu.memory_space<semaphore_mem>>) src(%dma_wait3A_808 : memref<256x128xf32, #tpu.memory_space<vmem>>) dst(%dma_wait3A_804 : memref<256x128xf32, #tpu.memory_space<hbm>>)
      } else {
      }
      %mul3A_375 = arith.constant 2 : i32
      %mul3A_376 = arith.muli %add3A_118, %mul3A_375 : i32
      %add3A_377 = arith.constant 0 : i32
      %add3A_378 = arith.addi %mul3A_376, %add3A_377 : i32
      %dma_start3A_379 = arith.constant 0 : i32
      %dma_start3A_380 = arith.constant 0 : i32
      %dma_start3A_381 = arith.constant 0 : i32
      %dma_start3A_382 = arith.constant 0 : i32
      %dma_start3A_383 = tpu.memref_slice %arg6[%dma_start3A_379, %dma_start3A_381, %dma_start3A_382] : memref<2x256x128xf32, #tpu.memory_space<vmem>> -> memref<1x128x128xf32, #tpu.memory_space<vmem>>
      %dma_start3A_384 = tpu.memref_squeeze %dma_start3A_383 : memref<1x128x128xf32, #tpu.memory_space<vmem>> -> memref<128x128xf32, #tpu.memory_space<vmem>>
      %dma_start3A_385 = arith.constant 0 : i32
      %dma_start3A_386 = tpu.memref_slice %arg5[%add3A_378, %dma_start3A_385] : memref<200x128xi32, #tpu.memory_space<vmem>> -> memref<1x128xi32, #tpu.memory_space<vmem>>
      %dma_start3A_387 = tpu.memref_squeeze %dma_start3A_386 : memref<1x128xi32, #tpu.memory_space<vmem>> -> memref<128xi32, #tpu.memory_space<vmem>>
      %dma_start3A_388 = arith.constant 0 : i32
      %dma_start3A_389 = arith.constant 0 : i32
      %dma_start3A_390 = tpu.memref_slice %arg3[%dma_start3A_388, %dma_start3A_389] : memref<1000008x128xf32, #tpu.memory_space<hbm>> -> memref<1000008x128xf32, #tpu.memory_space<hbm>>
      %dma_start3A_391 = tpu.memref_slice %arg7[%dma_start3A_380] : memref<2x!tpu.dma_semaphore, #tpu.memory_space<semaphore_mem>> -> memref<1x!tpu.dma_semaphore, #tpu.memory_space<semaphore_mem>>
      %dma_start3A_392 = tpu.memref_squeeze %dma_start3A_391 : memref<1x!tpu.dma_semaphore, #tpu.memory_space<semaphore_mem>> -> memref<!tpu.dma_semaphore, #tpu.memory_space<semaphore_mem>>
      tpu.enqueue_indirect_dma source(%dma_start3A_390 : memref<1000008x128xf32, #tpu.memory_space<hbm>>) target(%dma_start3A_384 : memref<128x128xf32, #tpu.memory_space<vmem>>) offsets(%dma_start3A_387 : memref<128xi32, #tpu.memory_space<vmem>>) semaphore(%dma_start3A_392 : memref<!tpu.dma_semaphore, #tpu.memory_space<semaphore_mem>>)
      %mul3A_393 = arith.constant 2 : i32
      %mul3A_394 = arith.muli %add3A_118, %mul3A_393 : i32
      %add3A_395 = arith.constant 1 : i32
      %add3A_396 = arith.addi %mul3A_394, %add3A_395 : i32
      %dma_start3A_397 = arith.constant 0 : i32
      %dma_start3A_398 = arith.constant 0 : i32
      %dma_start3A_399 = arith.constant 128 : i32
      %dma_start3A_400 = arith.constant 0 : i32
      %dma_start3A_401 = tpu.memref_slice %arg6[%dma_start3A_397, %dma_start3A_399, %dma_start3A_400] : memref<2x256x128xf32, #tpu.memory_space<vmem>> -> memref<1x128x128xf32, #tpu.memory_space<vmem>>
      %dma_start3A_402 = tpu.memref_squeeze %dma_start3A_401 : memref<1x128x128xf32, #tpu.memory_space<vmem>> -> memref<128x128xf32, #tpu.memory_space<vmem>>
      %dma_start3A_403 = arith.constant 0 : i32
      %dma_start3A_404 = tpu.memref_slice %arg5[%add3A_396, %dma_start3A_403] : memref<200x128xi32, #tpu.memory_space<vmem>> -> memref<1x128xi32, #tpu.memory_space<vmem>>
      %dma_start3A_405 = tpu.memref_squeeze %dma_start3A_404 : memref<1x128xi32, #tpu.memory_space<vmem>> -> memref<128xi32, #tpu.memory_space<vmem>>
      %dma_start3A_406 = arith.constant 0 : i32
      %dma_start3A_407 = arith.constant 0 : i32
      %dma_start3A_408 = tpu.memref_slice %arg3[%dma_start3A_406, %dma_start3A_407] : memref<1000008x128xf32, #tpu.memory_space<hbm>> -> memref<1000008x128xf32, #tpu.memory_space<hbm>>
      %dma_start3A_409 = tpu.memref_slice %arg7[%dma_start3A_398] : memref<2x!tpu.dma_semaphore, #tpu.memory_space<semaphore_mem>> -> memref<1x!tpu.dma_semaphore, #tpu.memory_space<semaphore_mem>>
      %dma_start3A_410 = tpu.memref_squeeze %dma_start3A_409 : memref<1x!tpu.dma_semaphore, #tpu.memory_space<semaphore_mem>> -> memref<!tpu.dma_semaphore, #tpu.memory_space<semaphore_mem>>
      tpu.enqueue_indirect_dma source(%dma_start3A_408 : memref<1000008x128xf32, #tpu.memory_space<hbm>>) target(%dma_start3A_402 : memref<128x128xf32, #tpu.memory_space<vmem>>) offsets(%dma_start3A_405 : memref<128xi32, #tpu.memory_space<vmem>>) semaphore(%dma_start3A_410 : memref<!tpu.dma_semaphore, #tpu.memory_space<semaphore_mem>>)
      %ge3A_411 = arith.constant 1 : i32
      %ge3A_412 = arith.cmpi sge, %scan3A_114, %ge3A_411 : i32
      %convert_element_type3A_413 = arith.extui %ge3A_412 : i1 to i32
      %cond3A_414 = arith.constant 0 : i32
      %cond3A_415 = arith.cmpi ne, %convert_element_type3A_413, %cond3A_414 : i32
      scf.if %cond3A_415 {
        %sub3A_791 = arith.constant 1 : i32
        %sub3A_792 = arith.subi %add3A_118, %sub3A_791 : i32
        %mul3A_793 = arith.constant 2 : i32
        %mul3A_794 = arith.muli %sub3A_792, %mul3A_793 : i32
        %add3A_795 = arith.addi %mul3A_2, %mul3A_794 : i32
        %dma_wait3A_796 = arith.constant 0 : i32
        %dma_wait3A_797 = arith.constant 1 : i32
        %dma_wait3A_798 = arith.constant 1 : i32
        %dma_wait3A_799 = arith.constant 0 : i32
        %dma_wait3A_800 = arith.constant 0 : i32
        %dma_wait3A_801 = tpu.memref_slice %arg6[%dma_wait3A_797, %dma_wait3A_799, %dma_wait3A_800] : memref<2x256x128xf32, #tpu.memory_space<vmem>> -> memref<1x128x128xf32, #tpu.memory_space<vmem>>
        %dma_wait3A_802 = tpu.memref_squeeze %dma_wait3A_801 : memref<1x128x128xf32, #tpu.memory_space<vmem>> -> memref<128x128xf32, #tpu.memory_space<vmem>>
        %dma_wait3A_803 = arith.constant 0 : i32
        %dma_wait3A_804 = tpu.memref_slice %arg5[%dma_wait3A_796, %dma_wait3A_803] : memref<200x128xi32, #tpu.memory_space<vmem>> -> memref<1x128xi32, #tpu.memory_space<vmem>>
        %dma_wait3A_805 = tpu.memref_squeeze %dma_wait3A_804 : memref<1x128xi32, #tpu.memory_space<vmem>> -> memref<128xi32, #tpu.memory_space<vmem>>
        %dma_wait3A_806 = arith.constant 0 : i32
        %dma_wait3A_807 = arith.constant 0 : i32
        %dma_wait3A_808 = tpu.memref_slice %arg3[%dma_wait3A_806, %dma_wait3A_807] : memref<1000008x128xf32, #tpu.memory_space<hbm>> -> memref<1000008x128xf32, #tpu.memory_space<hbm>>
        %dma_wait3A_809 = tpu.memref_slice %arg7[%dma_wait3A_798] : memref<2x!tpu.dma_semaphore, #tpu.memory_space<semaphore_mem>> -> memref<1x!tpu.dma_semaphore, #tpu.memory_space<semaphore_mem>>
        %dma_wait3A_810 = tpu.memref_squeeze %dma_wait3A_809 : memref<1x!tpu.dma_semaphore, #tpu.memory_space<semaphore_mem>> -> memref<!tpu.dma_semaphore, #tpu.memory_space<semaphore_mem>>
        tpu.wait_indirect_dma semaphore(%dma_wait3A_810 : memref<!tpu.dma_semaphore, #tpu.memory_space<semaphore_mem>>) src(%dma_wait3A_808 : memref<1000008x128xf32, #tpu.memory_space<hbm>>) dst(%dma_wait3A_802 : memref<128x128xf32, #tpu.memory_space<vmem>>)
        %add3A_811 = arith.constant 0 : i32
        %add3A_812 = arith.addi %add3A_795, %add3A_811 : i32
        %mul3A_813 = arith.constant 128 : i32
        %mul3A_814 = arith.muli %add3A_812, %mul3A_813 : i32
        %dma_start3A_815 = arith.constant 1 : i32
        %dma_start3A_816 = arith.constant 1 : i32
        %dma_start3A_817 = arith.constant 0 : i32
        %dma_start3A_818 = arith.constant 0 : i32
        %dma_start3A_819 = tpu.memref_slice %arg6[%dma_start3A_815, %dma_start3A_817, %dma_start3A_818] : memref<2x256x128xf32, #tpu.memory_space<vmem>> -> memref<1x128x128xf32, #tpu.memory_space<vmem>>
        %dma_start3A_820 = tpu.memref_squeeze %dma_start3A_819 : memref<1x128x128xf32, #tpu.memory_space<vmem>> -> memref<128x128xf32, #tpu.memory_space<vmem>>
        %dma_start3A_821 = arith.constant 0 : i32
        %dma_start3A_822 = tpu.memref_slice %arg4[%mul3A_814, %dma_start3A_821] : memref<819200x128xf32, #tpu.memory_space<hbm>> -> memref<128x128xf32, #tpu.memory_space<hbm>>
        %dma_start3A_823 = tpu.memref_slice %arg8[%dma_start3A_816] : memref<2x!tpu.dma_semaphore, #tpu.memory_space<semaphore_mem>> -> memref<1x!tpu.dma_semaphore, #tpu.memory_space<semaphore_mem>>
        %dma_start3A_824 = tpu.memref_squeeze %dma_start3A_823 : memref<1x!tpu.dma_semaphore, #tpu.memory_space<semaphore_mem>> -> memref<!tpu.dma_semaphore, #tpu.memory_space<semaphore_mem>>
        %dma_start3A_825 = arith.constant 0 : i32
        %dma_start3A_826 = tpu.memref_slice %arg4[%mul3A_814, %dma_start3A_825] : memref<819200x128xf32, #tpu.memory_space<hbm>> -> memref<128x128xf32, #tpu.memory_space<hbm>>
        %dma_start3A_827 = arith.constant 0 : i32
        %dma_start3A_828 = arith.constant 0 : i32
        %dma_start3A_829 = tpu.memref_slice %arg6[%dma_start3A_815, %dma_start3A_827, %dma_start3A_828] : memref<2x256x128xf32, #tpu.memory_space<vmem>> -> memref<1x128x128xf32, #tpu.memory_space<vmem>>
        %dma_start3A_830 = tpu.memref_squeeze %dma_start3A_829 : memref<1x128x128xf32, #tpu.memory_space<vmem>> -> memref<128x128xf32, #tpu.memory_space<vmem>>
        tpu.enqueue_dma source(%dma_start3A_830 : memref<128x128xf32, #tpu.memory_space<vmem>>) target(%dma_start3A_826 : memref<128x128xf32, #tpu.memory_space<hbm>>) target_semaphore(%dma_start3A_824 : memref<!tpu.dma_semaphore, #tpu.memory_space<semaphore_mem>>)
        %dma_wait3A_831 = arith.constant 1 : i32
        %dma_wait3A_832 = arith.constant 1 : i32
        %dma_wait3A_833 = arith.constant 1 : i32
        %dma_wait3A_834 = arith.constant 128 : i32
        %dma_wait3A_835 = arith.constant 0 : i32
        %dma_wait3A_836 = tpu.memref_slice %arg6[%dma_wait3A_832, %dma_wait3A_834, %dma_wait3A_835] : memref<2x256x128xf32, #tpu.memory_space<vmem>> -> memref<1x128x128xf32, #tpu.memory_space<vmem>>
        %dma_wait3A_837 = tpu.memref_squeeze %dma_wait3A_836 : memref<1x128x128xf32, #tpu.memory_space<vmem>> -> memref<128x128xf32, #tpu.memory_space<vmem>>
        %dma_wait3A_838 = arith.constant 0 : i32
        %dma_wait3A_839 = tpu.memref_slice %arg5[%dma_wait3A_831, %dma_wait3A_838] : memref<200x128xi32, #tpu.memory_space<vmem>> -> memref<1x128xi32, #tpu.memory_space<vmem>>
        %dma_wait3A_840 = tpu.memref_squeeze %dma_wait3A_839 : memref<1x128xi32, #tpu.memory_space<vmem>> -> memref<128xi32, #tpu.memory_space<vmem>>
        %dma_wait3A_841 = arith.constant 0 : i32
        %dma_wait3A_842 = arith.constant 0 : i32
        %dma_wait3A_843 = tpu.memref_slice %arg3[%dma_wait3A_841, %dma_wait3A_842] : memref<1000008x128xf32, #tpu.memory_space<hbm>> -> memref<1000008x128xf32, #tpu.memory_space<hbm>>
        %dma_wait3A_844 = tpu.memref_slice %arg7[%dma_wait3A_833] : memref<2x!tpu.dma_semaphore, #tpu.memory_space<semaphore_mem>> -> memref<1x!tpu.dma_semaphore, #tpu.memory_space<semaphore_mem>>
        %dma_wait3A_845 = tpu.memref_squeeze %dma_wait3A_844 : memref<1x!tpu.dma_semaphore, #tpu.memory_space<semaphore_mem>> -> memref<!tpu.dma_semaphore, #tpu.memory_space<semaphore_mem>>
        tpu.wait_indirect_dma semaphore(%dma_wait3A_845 : memref<!tpu.dma_semaphore, #tpu.memory_space<semaphore_mem>>) src(%dma_wait3A_843 : memref<1000008x128xf32, #tpu.memory_space<hbm>>) dst(%dma_wait3A_837 : memref<128x128xf32, #tpu.memory_space<vmem>>)
        %add3A_846 = arith.constant 1 : i32
        %add3A_847 = arith.addi %add3A_795, %add3A_846 : i32
        %mul3A_848 = arith.constant 128 : i32
        %mul3A_849 = arith.muli %add3A_847, %mul3A_848 : i32
        %dma_start3A_850 = arith.constant 1 : i32
        %dma_start3A_851 = arith.constant 1 : i32
        %dma_start3A_852 = arith.constant 128 : i32
        %dma_start3A_853 = arith.constant 0 : i32
        %dma_start3A_854 = tpu.memref_slice %arg6[%dma_start3A_850, %dma_start3A_852, %dma_start3A_853] : memref<2x256x128xf32, #tpu.memory_space<vmem>> -> memref<1x128x128xf32, #tpu.memory_space<vmem>>
        %dma_start3A_855 = tpu.memref_squeeze %dma_start3A_854 : memref<1x128x128xf32, #tpu.memory_space<vmem>> -> memref<128x128xf32, #tpu.memory_space<vmem>>
        %dma_start3A_856 = arith.constant 0 : i32
        %dma_start3A_857 = tpu.memref_slice %arg4[%mul3A_849, %dma_start3A_856] : memref<819200x128xf32, #tpu.memory_space<hbm>> -> memref<128x128xf32, #tpu.memory_space<hbm>>
        %dma_start3A_858 = tpu.memref_slice %arg8[%dma_start3A_851] : memref<2x!tpu.dma_semaphore, #tpu.memory_space<semaphore_mem>> -> memref<1x!tpu.dma_semaphore, #tpu.memory_space<semaphore_mem>>
        %dma_start3A_859 = tpu.memref_squeeze %dma_start3A_858 : memref<1x!tpu.dma_semaphore, #tpu.memory_space<semaphore_mem>> -> memref<!tpu.dma_semaphore, #tpu.memory_space<semaphore_mem>>
        %dma_start3A_860 = arith.constant 0 : i32
        %dma_start3A_861 = tpu.memref_slice %arg4[%mul3A_849, %dma_start3A_860] : memref<819200x128xf32, #tpu.memory_space<hbm>> -> memref<128x128xf32, #tpu.memory_space<hbm>>
        %dma_start3A_862 = arith.constant 128 : i32
        %dma_start3A_863 = arith.constant 0 : i32
        %dma_start3A_864 = tpu.memref_slice %arg6[%dma_start3A_850, %dma_start3A_862, %dma_start3A_863] : memref<2x256x128xf32, #tpu.memory_space<vmem>> -> memref<1x128x128xf32, #tpu.memory_space<vmem>>
        %dma_start3A_865 = tpu.memref_squeeze %dma_start3A_864 : memref<1x128x128xf32, #tpu.memory_space<vmem>> -> memref<128x128xf32, #tpu.memory_space<vmem>>
        tpu.enqueue_dma source(%dma_start3A_865 : memref<128x128xf32, #tpu.memory_space<vmem>>) target(%dma_start3A_861 : memref<128x128xf32, #tpu.memory_space<hbm>>) target_semaphore(%dma_start3A_859 : memref<!tpu.dma_semaphore, #tpu.memory_space<semaphore_mem>>)
      } else {
      }
      %mul3A_416 = arith.constant 2 : i32
      %mul3A_417 = arith.muli %scan3A_114, %mul3A_416 : i32
      %add3A_418 = arith.constant 1 : i32
      %add3A_419 = arith.addi %mul3A_417, %add3A_418 : i32
      %mul3A_420 = arith.constant 2 : i32
      %mul3A_421 = arith.muli %add3A_419, %mul3A_420 : i32
      %add3A_422 = arith.constant 0 : i32
      %add3A_423 = arith.addi %mul3A_421, %add3A_422 : i32
      %get3A_424 = arith.index_cast %add3A_423 : i32 to index
      %get3A_425 = arith.constant 0 : index
      %get3A_426 = tpu.vector_load %arg5[%get3A_424, %get3A_425] {strides = array<i32>} : memref<200x128xi32, #tpu.memory_space<vmem>>, vector<1x16xi32>,
      %get3A_427 = vector.shape_cast %get3A_426 : vector<1x16xi32> to vector<16xi32>
      %add3A_428 = arith.constant 1 : i32
      %add3A_429 = vector.broadcast %add3A_428 : i32 to vector<16xi32>
      %add3A_430 = arith.addi %get3A_427, %add3A_429 : vector<16xi32>
      %swap3A_431 = arith.index_cast %add3A_423 : i32 to index
      %swap3A_432 = arith.constant 0 : index
      %swap3A_433 = tpu.vector_load %arg5[%swap3A_431, %swap3A_432] {strides = array<i32>} : memref<200x128xi32, #tpu.memory_space<vmem>>, vector<1x16xi32>,
      %swap3A_434 = vector.shape_cast %swap3A_433 : vector<1x16xi32> to vector<16xi32>
      %swap3A_435 = vector.shape_cast %add3A_430 : vector<16xi32> to vector<1x16xi32>
      tpu.vector_store %arg5[%swap3A_431, %swap3A_432], %swap3A_435 {strides = array<i32>} : memref<200x128xi32, #tpu.memory_space<vmem>>, vector<1x16xi32>,
      %mul3A_436 = arith.constant 2 : i32
      %mul3A_437 = arith.muli %add3A_419, %mul3A_436 : i32
      %add3A_438 = arith.constant 0 : i32
      %add3A_439 = arith.addi %mul3A_437, %add3A_438 : i32
      %get3A_440 = arith.index_cast %add3A_439 : i32 to index
      %get3A_441 = arith.constant 16 : index
      %get3A_442 = tpu.vector_load %arg5[%get3A_440, %get3A_441] {strides = array<i32>} : memref<200x128xi32, #tpu.memory_space<vmem>>, vector<1x16xi32>,
      %get3A_443 = vector.shape_cast %get3A_442 : vector<1x16xi32> to vector<16xi32>
      %add3A_444 = arith.constant 1 : i32
      %add3A_445 = vector.broadcast %add3A_444 : i32 to vector<16xi32>
      %add3A_446 = arith.addi %get3A_443, %add3A_445 : vector<16xi32>
      %swap3A_447 = arith.index_cast %add3A_439 : i32 to index
      %swap3A_448 = arith.constant 16 : index
      %swap3A_449 = tpu.vector_load %arg5[%swap3A_447, %swap3A_448] {strides = array<i32>} : memref<200x128xi32, #tpu.memory_space<vmem>>, vector<1x16xi32>,
      %swap3A_450 = vector.shape_cast %swap3A_449 : vector<1x16xi32> to vector<16xi32>
      %swap3A_451 = vector.shape_cast %add3A_446 : vector<16xi32> to vector<1x16xi32>
      tpu.vector_store %arg5[%swap3A_447, %swap3A_448], %swap3A_451 {strides = array<i32>} : memref<200x128xi32, #tpu.memory_space<vmem>>, vector<1x16xi32>,
      %mul3A_452 = arith.constant 2 : i32
      %mul3A_453 = arith.muli %add3A_419, %mul3A_452 : i32
      %add3A_454 = arith.constant 0 : i32
      %add3A_455 = arith.addi %mul3A_453, %add3A_454 : i32
      %get3A_456 = arith.index_cast %add3A_455 : i32 to index
      %get3A_457 = arith.constant 32 : index
      %get3A_458 = tpu.vector_load %arg5[%get3A_456, %get3A_457] {strides = array<i32>} : memref<200x128xi32, #tpu.memory_space<vmem>>, vector<1x16xi32>,
      %get3A_459 = vector.shape_cast %get3A_458 : vector<1x16xi32> to vector<16xi32>
      %add3A_460 = arith.constant 1 : i32
      %add3A_461 = vector.broadcast %add3A_460 : i32 to vector<16xi32>
      %add3A_462 = arith.addi %get3A_459, %add3A_461 : vector<16xi32>
      %swap3A_463 = arith.index_cast %add3A_455 : i32 to index
      %swap3A_464 = arith.constant 32 : index
      %swap3A_465 = tpu.vector_load %arg5[%swap3A_463, %swap3A_464] {strides = array<i32>} : memref<200x128xi32, #tpu.memory_space<vmem>>, vector<1x16xi32>,
      %swap3A_466 = vector.shape_cast %swap3A_465 : vector<1x16xi32> to vector<16xi32>
      %swap3A_467 = vector.shape_cast %add3A_462 : vector<16xi32> to vector<1x16xi32>
      tpu.vector_store %arg5[%swap3A_463, %swap3A_464], %swap3A_467 {strides = array<i32>} : memref<200x128xi32, #tpu.memory_space<vmem>>, vector<1x16xi32>,
      %mul3A_468 = arith.constant 2 : i32
      %mul3A_469 = arith.muli %add3A_419, %mul3A_468 : i32
      %add3A_470 = arith.constant 0 : i32
      %add3A_471 = arith.addi %mul3A_469, %add3A_470 : i32
      %get3A_472 = arith.index_cast %add3A_471 : i32 to index
      %get3A_473 = arith.constant 48 : index
      %get3A_474 = tpu.vector_load %arg5[%get3A_472, %get3A_473] {strides = array<i32>} : memref<200x128xi32, #tpu.memory_space<vmem>>, vector<1x16xi32>,
      %get3A_475 = vector.shape_cast %get3A_474 : vector<1x16xi32> to vector<16xi32>
      %add3A_476 = arith.constant 1 : i32
      %add3A_477 = vector.broadcast %add3A_476 : i32 to vector<16xi32>
      %add3A_478 = arith.addi %get3A_475, %add3A_477 : vector<16xi32>
      %swap3A_479 = arith.index_cast %add3A_471 : i32 to index
      %swap3A_480 = arith.constant 48 : index
      %swap3A_481 = tpu.vector_load %arg5[%swap3A_479, %swap3A_480] {strides = array<i32>} : memref<200x128xi32, #tpu.memory_space<vmem>>, vector<1x16xi32>,
      %swap3A_482 = vector.shape_cast %swap3A_481 : vector<1x16xi32> to vector<16xi32>
      %swap3A_483 = vector.shape_cast %add3A_478 : vector<16xi32> to vector<1x16xi32>
      tpu.vector_store %arg5[%swap3A_479, %swap3A_480], %swap3A_483 {strides = array<i32>} : memref<200x128xi32, #tpu.memory_space<vmem>>, vector<1x16xi32>,
      %mul3A_484 = arith.constant 2 : i32
      %mul3A_485 = arith.muli %add3A_419, %mul3A_484 : i32
      %add3A_486 = arith.constant 0 : i32
      %add3A_487 = arith.addi %mul3A_485, %add3A_486 : i32
      %get3A_488 = arith.index_cast %add3A_487 : i32 to index
      %get3A_489 = arith.constant 64 : index
      %get3A_490 = tpu.vector_load %arg5[%get3A_488, %get3A_489] {strides = array<i32>} : memref<200x128xi32, #tpu.memory_space<vmem>>, vector<1x16xi32>,
      %get3A_491 = vector.shape_cast %get3A_490 : vector<1x16xi32> to vector<16xi32>
      %add3A_492 = arith.constant 1 : i32
      %add3A_493 = vector.broadcast %add3A_492 : i32 to vector<16xi32>
      %add3A_494 = arith.addi %get3A_491, %add3A_493 : vector<16xi32>
      %swap3A_495 = arith.index_cast %add3A_487 : i32 to index
      %swap3A_496 = arith.constant 64 : index
      %swap3A_497 = tpu.vector_load %arg5[%swap3A_495, %swap3A_496] {strides = array<i32>} : memref<200x128xi32, #tpu.memory_space<vmem>>, vector<1x16xi32>,
      %swap3A_498 = vector.shape_cast %swap3A_497 : vector<1x16xi32> to vector<16xi32>
      %swap3A_499 = vector.shape_cast %add3A_494 : vector<16xi32> to vector<1x16xi32>
      tpu.vector_store %arg5[%swap3A_495, %swap3A_496], %swap3A_499 {strides = array<i32>} : memref<200x128xi32, #tpu.memory_space<vmem>>, vector<1x16xi32>,
      %mul3A_500 = arith.constant 2 : i32
      %mul3A_501 = arith.muli %add3A_419, %mul3A_500 : i32
      %add3A_502 = arith.constant 0 : i32
      %add3A_503 = arith.addi %mul3A_501, %add3A_502 : i32
      %get3A_504 = arith.index_cast %add3A_503 : i32 to index
      %get3A_505 = arith.constant 80 : index
      %get3A_506 = tpu.vector_load %arg5[%get3A_504, %get3A_505] {strides = array<i32>} : memref<200x128xi32, #tpu.memory_space<vmem>>, vector<1x16xi32>,
      %get3A_507 = vector.shape_cast %get3A_506 : vector<1x16xi32> to vector<16xi32>
      %add3A_508 = arith.constant 1 : i32
      %add3A_509 = vector.broadcast %add3A_508 : i32 to vector<16xi32>
      %add3A_510 = arith.addi %get3A_507, %add3A_509 : vector<16xi32>
      %swap3A_511 = arith.index_cast %add3A_503 : i32 to index
      %swap3A_512 = arith.constant 80 : index
      %swap3A_513 = tpu.vector_load %arg5[%swap3A_511, %swap3A_512] {strides = array<i32>} : memref<200x128xi32, #tpu.memory_space<vmem>>, vector<1x16xi32>,
      %swap3A_514 = vector.shape_cast %swap3A_513 : vector<1x16xi32> to vector<16xi32>
      %swap3A_515 = vector.shape_cast %add3A_510 : vector<16xi32> to vector<1x16xi32>
      tpu.vector_store %arg5[%swap3A_511, %swap3A_512], %swap3A_515 {strides = array<i32>} : memref<200x128xi32, #tpu.memory_space<vmem>>, vector<1x16xi32>,
      %mul3A_516 = arith.constant 2 : i32
      %mul3A_517 = arith.muli %add3A_419, %mul3A_516 : i32
      %add3A_518 = arith.constant 0 : i32
      %add3A_519 = arith.addi %mul3A_517, %add3A_518 : i32
      %get3A_520 = arith.index_cast %add3A_519 : i32 to index
      %get3A_521 = arith.constant 96 : index
      %get3A_522 = tpu.vector_load %arg5[%get3A_520, %get3A_521] {strides = array<i32>} : memref<200x128xi32, #tpu.memory_space<vmem>>, vector<1x16xi32>,
      %get3A_523 = vector.shape_cast %get3A_522 : vector<1x16xi32> to vector<16xi32>
      %add3A_524 = arith.constant 1 : i32
      %add3A_525 = vector.broadcast %add3A_524 : i32 to vector<16xi32>
      %add3A_526 = arith.addi %get3A_523, %add3A_525 : vector<16xi32>
      %swap3A_527 = arith.index_cast %add3A_519 : i32 to index
      %swap3A_528 = arith.constant 96 : index
      %swap3A_529 = tpu.vector_load %arg5[%swap3A_527, %swap3A_528] {strides = array<i32>} : memref<200x128xi32, #tpu.memory_space<vmem>>, vector<1x16xi32>,
      %swap3A_530 = vector.shape_cast %swap3A_529 : vector<1x16xi32> to vector<16xi32>
      %swap3A_531 = vector.shape_cast %add3A_526 : vector<16xi32> to vector<1x16xi32>
      tpu.vector_store %arg5[%swap3A_527, %swap3A_528], %swap3A_531 {strides = array<i32>} : memref<200x128xi32, #tpu.memory_space<vmem>>, vector<1x16xi32>,
      %mul3A_532 = arith.constant 2 : i32
      %mul3A_533 = arith.muli %add3A_419, %mul3A_532 : i32
      %add3A_534 = arith.constant 0 : i32
      %add3A_535 = arith.addi %mul3A_533, %add3A_534 : i32
      %get3A_536 = arith.index_cast %add3A_535 : i32 to index
      %get3A_537 = arith.constant 112 : index
      %get3A_538 = tpu.vector_load %arg5[%get3A_536, %get3A_537] {strides = array<i32>} : memref<200x128xi32, #tpu.memory_space<vmem>>, vector<1x16xi32>,
      %get3A_539 = vector.shape_cast %get3A_538 : vector<1x16xi32> to vector<16xi32>
      %add3A_540 = arith.constant 1 : i32
      %add3A_541 = vector.broadcast %add3A_540 : i32 to vector<16xi32>
      %add3A_542 = arith.addi %get3A_539, %add3A_541 : vector<16xi32>
      %swap3A_543 = arith.index_cast %add3A_535 : i32 to index
      %swap3A_544 = arith.constant 112 : index
      %swap3A_545 = tpu.vector_load %arg5[%swap3A_543, %swap3A_544] {strides = array<i32>} : memref<200x128xi32, #tpu.memory_space<vmem>>, vector<1x16xi32>,
      %swap3A_546 = vector.shape_cast %swap3A_545 : vector<1x16xi32> to vector<16xi32>
      %swap3A_547 = vector.shape_cast %add3A_542 : vector<16xi32> to vector<1x16xi32>
      tpu.vector_store %arg5[%swap3A_543, %swap3A_544], %swap3A_547 {strides = array<i32>} : memref<200x128xi32, #tpu.memory_space<vmem>>, vector<1x16xi32>,
      %mul3A_548 = arith.constant 2 : i32
      %mul3A_549 = arith.muli %add3A_419, %mul3A_548 : i32
      %add3A_550 = arith.constant 1 : i32
      %add3A_551 = arith.addi %mul3A_549, %add3A_550 : i32
      %get3A_552 = arith.index_cast %add3A_551 : i32 to index
      %get3A_553 = arith.constant 0 : index
      %get3A_554 = tpu.vector_load %arg5[%get3A_552, %get3A_553] {strides = array<i32>} : memref<200x128xi32, #tpu.memory_space<vmem>>, vector<1x16xi32>,
      %get3A_555 = vector.shape_cast %get3A_554 : vector<1x16xi32> to vector<16xi32>
      %add3A_556 = arith.constant 1 : i32
      %add3A_557 = vector.broadcast %add3A_556 : i32 to vector<16xi32>
      %add3A_558 = arith.addi %get3A_555, %add3A_557 : vector<16xi32>
      %swap3A_559 = arith.index_cast %add3A_551 : i32 to index
      %swap3A_560 = arith.constant 0 : index
      %swap3A_561 = tpu.vector_load %arg5[%swap3A_559, %swap3A_560] {strides = array<i32>} : memref<200x128xi32, #tpu.memory_space<vmem>>, vector<1x16xi32>,
      %swap3A_562 = vector.shape_cast %swap3A_561 : vector<1x16xi32> to vector<16xi32>
      %swap3A_563 = vector.shape_cast %add3A_558 : vector<16xi32> to vector<1x16xi32>
      tpu.vector_store %arg5[%swap3A_559, %swap3A_560], %swap3A_563 {strides = array<i32>} : memref<200x128xi32, #tpu.memory_space<vmem>>, vector<1x16xi32>,
      %mul3A_564 = arith.constant 2 : i32
      %mul3A_565 = arith.muli %add3A_419, %mul3A_564 : i32
      %add3A_566 = arith.constant 1 : i32
      %add3A_567 = arith.addi %mul3A_565, %add3A_566 : i32
      %get3A_568 = arith.index_cast %add3A_567 : i32 to index
      %get3A_569 = arith.constant 16 : index
      %get3A_570 = tpu.vector_load %arg5[%get3A_568, %get3A_569] {strides = array<i32>} : memref<200x128xi32, #tpu.memory_space<vmem>>, vector<1x16xi32>,
      %get3A_571 = vector.shape_cast %get3A_570 : vector<1x16xi32> to vector<16xi32>
      %add3A_572 = arith.constant 1 : i32
      %add3A_573 = vector.broadcast %add3A_572 : i32 to vector<16xi32>
      %add3A_574 = arith.addi %get3A_571, %add3A_573 : vector<16xi32>
      %swap3A_575 = arith.index_cast %add3A_567 : i32 to index
      %swap3A_576 = arith.constant 16 : index
      %swap3A_577 = tpu.vector_load %arg5[%swap3A_575, %swap3A_576] {strides = array<i32>} : memref<200x128xi32, #tpu.memory_space<vmem>>, vector<1x16xi32>,
      %swap3A_578 = vector.shape_cast %swap3A_577 : vector<1x16xi32> to vector<16xi32>
      %swap3A_579 = vector.shape_cast %add3A_574 : vector<16xi32> to vector<1x16xi32>
      tpu.vector_store %arg5[%swap3A_575, %swap3A_576], %swap3A_579 {strides = array<i32>} : memref<200x128xi32, #tpu.memory_space<vmem>>, vector<1x16xi32>,
      %mul3A_580 = arith.constant 2 : i32
      %mul3A_581 = arith.muli %add3A_419, %mul3A_580 : i32
      %add3A_582 = arith.constant 1 : i32
      %add3A_583 = arith.addi %mul3A_581, %add3A_582 : i32
      %get3A_584 = arith.index_cast %add3A_583 : i32 to index
      %get3A_585 = arith.constant 32 : index
      %get3A_586 = tpu.vector_load %arg5[%get3A_584, %get3A_585] {strides = array<i32>} : memref<200x128xi32, #tpu.memory_space<vmem>>, vector<1x16xi32>,
      %get3A_587 = vector.shape_cast %get3A_586 : vector<1x16xi32> to vector<16xi32>
      %add3A_588 = arith.constant 1 : i32
      %add3A_589 = vector.broadcast %add3A_588 : i32 to vector<16xi32>
      %add3A_590 = arith.addi %get3A_587, %add3A_589 : vector<16xi32>
      %swap3A_591 = arith.index_cast %add3A_583 : i32 to index
      %swap3A_592 = arith.constant 32 : index
      %swap3A_593 = tpu.vector_load %arg5[%swap3A_591, %swap3A_592] {strides = array<i32>} : memref<200x128xi32, #tpu.memory_space<vmem>>, vector<1x16xi32>,
      %swap3A_594 = vector.shape_cast %swap3A_593 : vector<1x16xi32> to vector<16xi32>
      %swap3A_595 = vector.shape_cast %add3A_590 : vector<16xi32> to vector<1x16xi32>
      tpu.vector_store %arg5[%swap3A_591, %swap3A_592], %swap3A_595 {strides = array<i32>} : memref<200x128xi32, #tpu.memory_space<vmem>>, vector<1x16xi32>,
      %mul3A_596 = arith.constant 2 : i32
      %mul3A_597 = arith.muli %add3A_419, %mul3A_596 : i32
      %add3A_598 = arith.constant 1 : i32
      %add3A_599 = arith.addi %mul3A_597, %add3A_598 : i32
      %get3A_600 = arith.index_cast %add3A_599 : i32 to index
      %get3A_601 = arith.constant 48 : index
      %get3A_602 = tpu.vector_load %arg5[%get3A_600, %get3A_601] {strides = array<i32>} : memref<200x128xi32, #tpu.memory_space<vmem>>, vector<1x16xi32>,
      %get3A_603 = vector.shape_cast %get3A_602 : vector<1x16xi32> to vector<16xi32>
      %add3A_604 = arith.constant 1 : i32
      %add3A_605 = vector.broadcast %add3A_604 : i32 to vector<16xi32>
      %add3A_606 = arith.addi %get3A_603, %add3A_605 : vector<16xi32>
      %swap3A_607 = arith.index_cast %add3A_599 : i32 to index
      %swap3A_608 = arith.constant 48 : index
      %swap3A_609 = tpu.vector_load %arg5[%swap3A_607, %swap3A_608] {strides = array<i32>} : memref<200x128xi32, #tpu.memory_space<vmem>>, vector<1x16xi32>,
      %swap3A_610 = vector.shape_cast %swap3A_609 : vector<1x16xi32> to vector<16xi32>
      %swap3A_611 = vector.shape_cast %add3A_606 : vector<16xi32> to vector<1x16xi32>
      tpu.vector_store %arg5[%swap3A_607, %swap3A_608], %swap3A_611 {strides = array<i32>} : memref<200x128xi32, #tpu.memory_space<vmem>>, vector<1x16xi32>,
      %mul3A_612 = arith.constant 2 : i32
      %mul3A_613 = arith.muli %add3A_419, %mul3A_612 : i32
      %add3A_614 = arith.constant 1 : i32
      %add3A_615 = arith.addi %mul3A_613, %add3A_614 : i32
      %get3A_616 = arith.index_cast %add3A_615 : i32 to index
      %get3A_617 = arith.constant 64 : index
      %get3A_618 = tpu.vector_load %arg5[%get3A_616, %get3A_617] {strides = array<i32>} : memref<200x128xi32, #tpu.memory_space<vmem>>, vector<1x16xi32>,
      %get3A_619 = vector.shape_cast %get3A_618 : vector<1x16xi32> to vector<16xi32>
      %add3A_620 = arith.constant 1 : i32
      %add3A_621 = vector.broadcast %add3A_620 : i32 to vector<16xi32>
      %add3A_622 = arith.addi %get3A_619, %add3A_621 : vector<16xi32>
      %swap3A_623 = arith.index_cast %add3A_615 : i32 to index
      %swap3A_624 = arith.constant 64 : index
      %swap3A_625 = tpu.vector_load %arg5[%swap3A_623, %swap3A_624] {strides = array<i32>} : memref<200x128xi32, #tpu.memory_space<vmem>>, vector<1x16xi32>,
      %swap3A_626 = vector.shape_cast %swap3A_625 : vector<1x16xi32> to vector<16xi32>
      %swap3A_627 = vector.shape_cast %add3A_622 : vector<16xi32> to vector<1x16xi32>
      tpu.vector_store %arg5[%swap3A_623, %swap3A_624], %swap3A_627 {strides = array<i32>} : memref<200x128xi32, #tpu.memory_space<vmem>>, vector<1x16xi32>,
      %mul3A_628 = arith.constant 2 : i32
      %mul3A_629 = arith.muli %add3A_419, %mul3A_628 : i32
      %add3A_630 = arith.constant 1 : i32
      %add3A_631 = arith.addi %mul3A_629, %add3A_630 : i32
      %get3A_632 = arith.index_cast %add3A_631 : i32 to index
      %get3A_633 = arith.constant 80 : index
      %get3A_634 = tpu.vector_load %arg5[%get3A_632, %get3A_633] {strides = array<i32>} : memref<200x128xi32, #tpu.memory_space<vmem>>, vector<1x16xi32>,
      %get3A_635 = vector.shape_cast %get3A_634 : vector<1x16xi32> to vector<16xi32>
      %add3A_636 = arith.constant 1 : i32
      %add3A_637 = vector.broadcast %add3A_636 : i32 to vector<16xi32>
      %add3A_638 = arith.addi %get3A_635, %add3A_637 : vector<16xi32>
      %swap3A_639 = arith.index_cast %add3A_631 : i32 to index
      %swap3A_640 = arith.constant 80 : index
      %swap3A_641 = tpu.vector_load %arg5[%swap3A_639, %swap3A_640] {strides = array<i32>} : memref<200x128xi32, #tpu.memory_space<vmem>>, vector<1x16xi32>,
      %swap3A_642 = vector.shape_cast %swap3A_641 : vector<1x16xi32> to vector<16xi32>
      %swap3A_643 = vector.shape_cast %add3A_638 : vector<16xi32> to vector<1x16xi32>
      tpu.vector_store %arg5[%swap3A_639, %swap3A_640], %swap3A_643 {strides = array<i32>} : memref<200x128xi32, #tpu.memory_space<vmem>>, vector<1x16xi32>,
      %mul3A_644 = arith.constant 2 : i32
      %mul3A_645 = arith.muli %add3A_419, %mul3A_644 : i32
      %add3A_646 = arith.constant 1 : i32
      %add3A_647 = arith.addi %mul3A_645, %add3A_646 : i32
      %get3A_648 = arith.index_cast %add3A_647 : i32 to index
      %get3A_649 = arith.constant 96 : index
      %get3A_650 = tpu.vector_load %arg5[%get3A_648, %get3A_649] {strides = array<i32>} : memref<200x128xi32, #tpu.memory_space<vmem>>, vector<1x16xi32>,
      %get3A_651 = vector.shape_cast %get3A_650 : vector<1x16xi32> to vector<16xi32>
      %add3A_652 = arith.constant 1 : i32
      %add3A_653 = vector.broadcast %add3A_652 : i32 to vector<16xi32>
      %add3A_654 = arith.addi %get3A_651, %add3A_653 : vector<16xi32>
      %swap3A_655 = arith.index_cast %add3A_647 : i32 to index
      %swap3A_656 = arith.constant 96 : index
      %swap3A_657 = tpu.vector_load %arg5[%swap3A_655, %swap3A_656] {strides = array<i32>} : memref<200x128xi32, #tpu.memory_space<vmem>>, vector<1x16xi32>,
      %swap3A_658 = vector.shape_cast %swap3A_657 : vector<1x16xi32> to vector<16xi32>
      %swap3A_659 = vector.shape_cast %add3A_654 : vector<16xi32> to vector<1x16xi32>
      tpu.vector_store %arg5[%swap3A_655, %swap3A_656], %swap3A_659 {strides = array<i32>} : memref<200x128xi32, #tpu.memory_space<vmem>>, vector<1x16xi32>,
      %mul3A_660 = arith.constant 2 : i32
      %mul3A_661 = arith.muli %add3A_419, %mul3A_660 : i32
      %add3A_662 = arith.constant 1 : i32
      %add3A_663 = arith.addi %mul3A_661, %add3A_662 : i32
      %get3A_664 = arith.index_cast %add3A_663 : i32 to index
      %get3A_665 = arith.constant 112 : index
      %get3A_666 = tpu.vector_load %arg5[%get3A_664, %get3A_665] {strides = array<i32>} : memref<200x128xi32, #tpu.memory_space<vmem>>, vector<1x16xi32>,
      %get3A_667 = vector.shape_cast %get3A_666 : vector<1x16xi32> to vector<16xi32>
      %add3A_668 = arith.constant 1 : i32
      %add3A_669 = vector.broadcast %add3A_668 : i32 to vector<16xi32>
      %add3A_670 = arith.addi %get3A_667, %add3A_669 : vector<16xi32>
      %swap3A_671 = arith.index_cast %add3A_663 : i32 to index
      %swap3A_672 = arith.constant 112 : index
      %swap3A_673 = tpu.vector_load %arg5[%swap3A_671, %swap3A_672] {strides = array<i32>} : memref<200x128xi32, #tpu.memory_space<vmem>>, vector<1x16xi32>,
      %swap3A_674 = vector.shape_cast %swap3A_673 : vector<1x16xi32> to vector<16xi32>
      %swap3A_675 = vector.shape_cast %add3A_670 : vector<16xi32> to vector<1x16xi32>
      tpu.vector_store %arg5[%swap3A_671, %swap3A_672], %swap3A_675 {strides = array<i32>} : memref<200x128xi32, #tpu.memory_space<vmem>>, vector<1x16xi32>,
      %ge3A_676 = arith.constant 1 : i32
      %ge3A_677 = arith.cmpi sge, %scan3A_114, %ge3A_676 : i32
      %convert_element_type3A_678 = arith.extui %ge3A_677 : i1 to i32
      %cond3A_679 = arith.constant 0 : i32
      %cond3A_680 = arith.cmpi ne, %convert_element_type3A_678, %cond3A_679 : i32
      scf.if %cond3A_680 {
        %dma_wait3A_791 = arith.constant 1 : i32
        %dma_wait3A_792 = arith.constant 1 : i32
        %dma_wait3A_793 = arith.constant 0 : i32
        %dma_wait3A_794 = arith.constant 0 : i32
        %dma_wait3A_795 = tpu.memref_slice %arg6[%dma_wait3A_791, %dma_wait3A_793, %dma_wait3A_794] : memref<2x256x128xf32, #tpu.memory_space<vmem>> -> memref<1x256x128xf32, #tpu.memory_space<vmem>>
        %dma_wait3A_796 = tpu.memref_squeeze %dma_wait3A_795 : memref<1x256x128xf32, #tpu.memory_space<vmem>> -> memref<256x128xf32, #tpu.memory_space<vmem>>
        %dma_wait3A_797 = arith.constant 0 : i32
        %dma_wait3A_798 = arith.constant 0 : i32
        %dma_wait3A_799 = tpu.memref_slice %arg4[%dma_wait3A_797, %dma_wait3A_798] : memref<819200x128xf32, #tpu.memory_space<hbm>> -> memref<256x128xf32, #tpu.memory_space<hbm>>
        %dma_wait3A_800 = tpu.memref_slice %arg8[%dma_wait3A_792] : memref<2x!tpu.dma_semaphore, #tpu.memory_space<semaphore_mem>> -> memref<1x!tpu.dma_semaphore, #tpu.memory_space<semaphore_mem>>
        %dma_wait3A_801 = tpu.memref_squeeze %dma_wait3A_800 : memref<1x!tpu.dma_semaphore, #tpu.memory_space<semaphore_mem>> -> memref<!tpu.dma_semaphore, #tpu.memory_space<semaphore_mem>>
        %dma_wait3A_802 = arith.constant 0 : i32
        %dma_wait3A_803 = arith.constant 0 : i32
        %dma_wait3A_804 = tpu.memref_slice %arg4[%dma_wait3A_802, %dma_wait3A_803] : memref<819200x128xf32, #tpu.memory_space<hbm>> -> memref<256x128xf32, #tpu.memory_space<hbm>>
        %dma_wait3A_805 = arith.constant 0 : i32
        %dma_wait3A_806 = arith.constant 0 : i32
        %dma_wait3A_807 = tpu.memref_slice %arg6[%dma_wait3A_791, %dma_wait3A_805, %dma_wait3A_806] : memref<2x256x128xf32, #tpu.memory_space<vmem>> -> memref<1x256x128xf32, #tpu.memory_space<vmem>>
        %dma_wait3A_808 = tpu.memref_squeeze %dma_wait3A_807 : memref<1x256x128xf32, #tpu.memory_space<vmem>> -> memref<256x128xf32, #tpu.memory_space<vmem>>
        tpu.wait_dma2 semaphore(%dma_wait3A_801 : memref<!tpu.dma_semaphore, #tpu.memory_space<semaphore_mem>>) src(%dma_wait3A_808 : memref<256x128xf32, #tpu.memory_space<vmem>>) dst(%dma_wait3A_804 : memref<256x128xf32, #tpu.memory_space<hbm>>)
      } else {
      }
      %mul3A_681 = arith.constant 2 : i32
      %mul3A_682 = arith.muli %add3A_419, %mul3A_681 : i32
      %add3A_683 = arith.constant 0 : i32
      %add3A_684 = arith.addi %mul3A_682, %add3A_683 : i32
      %dma_start3A_685 = arith.constant 1 : i32
      %dma_start3A_686 = arith.constant 1 : i32
      %dma_start3A_687 = arith.constant 0 : i32
      %dma_start3A_688 = arith.constant 0 : i32
      %dma_start3A_689 = tpu.memref_slice %arg6[%dma_start3A_685, %dma_start3A_687, %dma_start3A_688] : memref<2x256x128xf32, #tpu.memory_space<vmem>> -> memref<1x128x128xf32, #tpu.memory_space<vmem>>
      %dma_start3A_690 = tpu.memref_squeeze %dma_start3A_689 : memref<1x128x128xf32, #tpu.memory_space<vmem>> -> memref<128x128xf32, #tpu.memory_space<vmem>>
      %dma_start3A_691 = arith.constant 0 : i32
      %dma_start3A_692 = tpu.memref_slice %arg5[%add3A_684, %dma_start3A_691] : memref<200x128xi32, #tpu.memory_space<vmem>> -> memref<1x128xi32, #tpu.memory_space<vmem>>
      %dma_start3A_693 = tpu.memref_squeeze %dma_start3A_692 : memref<1x128xi32, #tpu.memory_space<vmem>> -> memref<128xi32, #tpu.memory_space<vmem>>
      %dma_start3A_694 = arith.constant 0 : i32
      %dma_start3A_695 = arith.constant 0 : i32
      %dma_start3A_696 = tpu.memref_slice %arg3[%dma_start3A_694, %dma_start3A_695] : memref<1000008x128xf32, #tpu.memory_space<hbm>> -> memref<1000008x128xf32, #tpu.memory_space<hbm>>
      %dma_start3A_697 = tpu.memref_slice %arg7[%dma_start3A_686] : memref<2x!tpu.dma_semaphore, #tpu.memory_space<semaphore_mem>> -> memref<1x!tpu.dma_semaphore, #tpu.memory_space<semaphore_mem>>
      %dma_start3A_698 = tpu.memref_squeeze %dma_start3A_697 : memref<1x!tpu.dma_semaphore, #tpu.memory_space<semaphore_mem>> -> memref<!tpu.dma_semaphore, #tpu.memory_space<semaphore_mem>>
      tpu.enqueue_indirect_dma source(%dma_start3A_696 : memref<1000008x128xf32, #tpu.memory_space<hbm>>) target(%dma_start3A_690 : memref<128x128xf32, #tpu.memory_space<vmem>>) offsets(%dma_start3A_693 : memref<128xi32, #tpu.memory_space<vmem>>) semaphore(%dma_start3A_698 : memref<!tpu.dma_semaphore, #tpu.memory_space<semaphore_mem>>)
      %mul3A_699 = arith.constant 2 : i32
      %mul3A_700 = arith.muli %add3A_419, %mul3A_699 : i32
      %add3A_701 = arith.constant 1 : i32
      %add3A_702 = arith.addi %mul3A_700, %add3A_701 : i32
      %dma_start3A_703 = arith.constant 1 : i32
      %dma_start3A_704 = arith.constant 1 : i32
      %dma_start3A_705 = arith.constant 128 : i32
      %dma_start3A_706 = arith.constant 0 : i32
      %dma_start3A_707 = tpu.memref_slice %arg6[%dma_start3A_703, %dma_start3A_705, %dma_start3A_706] : memref<2x256x128xf32, #tpu.memory_space<vmem>> -> memref<1x128x128xf32, #tpu.memory_space<vmem>>
      %dma_start3A_708 = tpu.memref_squeeze %dma_start3A_707 : memref<1x128x128xf32, #tpu.memory_space<vmem>> -> memref<128x128xf32, #tpu.memory_space<vmem>>
      %dma_start3A_709 = arith.constant 0 : i32
      %dma_start3A_710 = tpu.memref_slice %arg5[%add3A_702, %dma_start3A_709] : memref<200x128xi32, #tpu.memory_space<vmem>> -> memref<1x128xi32, #tpu.memory_space<vmem>>
      %dma_start3A_711 = tpu.memref_squeeze %dma_start3A_710 : memref<1x128xi32, #tpu.memory_space<vmem>> -> memref<128xi32, #tpu.memory_space<vmem>>
      %dma_start3A_712 = arith.constant 0 : i32
      %dma_start3A_713 = arith.constant 0 : i32
      %dma_start3A_714 = tpu.memref_slice %arg3[%dma_start3A_712, %dma_start3A_713] : memref<1000008x128xf32, #tpu.memory_space<hbm>> -> memref<1000008x128xf32, #tpu.memory_space<hbm>>
      %dma_start3A_715 = tpu.memref_slice %arg7[%dma_start3A_704] : memref<2x!tpu.dma_semaphore, #tpu.memory_space<semaphore_mem>> -> memref<1x!tpu.dma_semaphore, #tpu.memory_space<semaphore_mem>>
      %dma_start3A_716 = tpu.memref_squeeze %dma_start3A_715 : memref<1x!tpu.dma_semaphore, #tpu.memory_space<semaphore_mem>> -> memref<!tpu.dma_semaphore, #tpu.memory_space<semaphore_mem>>
      tpu.enqueue_indirect_dma source(%dma_start3A_714 : memref<1000008x128xf32, #tpu.memory_space<hbm>>) target(%dma_start3A_708 : memref<128x128xf32, #tpu.memory_space<vmem>>) offsets(%dma_start3A_711 : memref<128xi32, #tpu.memory_space<vmem>>) semaphore(%dma_start3A_716 : memref<!tpu.dma_semaphore, #tpu.memory_space<semaphore_mem>>)
      %sub3A = arith.constant 1 : i32
      %sub3A_717 = arith.subi %add3A_419, %sub3A : i32
      %mul3A_718 = arith.constant 2 : i32
      %mul3A_719 = arith.muli %sub3A_717, %mul3A_718 : i32
      %add3A_720 = arith.addi %mul3A_2, %mul3A_719 : i32
      %dma_wait3A_721 = arith.constant 0 : i32
      %dma_wait3A_722 = arith.constant 0 : i32
      %dma_wait3A_723 = arith.constant 0 : i32
      %dma_wait3A_724 = arith.constant 0 : i32
      %dma_wait3A_725 = arith.constant 0 : i32
      %dma_wait3A_726 = tpu.memref_slice %arg6[%dma_wait3A_722, %dma_wait3A_724, %dma_wait3A_725] : memref<2x256x128xf32, #tpu.memory_space<vmem>> -> memref<1x128x128xf32, #tpu.memory_space<vmem>>
      %dma_wait3A_727 = tpu.memref_squeeze %dma_wait3A_726 : memref<1x128x128xf32, #tpu.memory_space<vmem>> -> memref<128x128xf32, #tpu.memory_space<vmem>>
      %dma_wait3A_728 = arith.constant 0 : i32
      %dma_wait3A_729 = tpu.memref_slice %arg5[%dma_wait3A_721, %dma_wait3A_728] : memref<200x128xi32, #tpu.memory_space<vmem>> -> memref<1x128xi32, #tpu.memory_space<vmem>>
      %dma_wait3A_730 = tpu.memref_squeeze %dma_wait3A_729 : memref<1x128xi32, #tpu.memory_space<vmem>> -> memref<128xi32, #tpu.memory_space<vmem>>
      %dma_wait3A_731 = arith.constant 0 : i32
      %dma_wait3A_732 = arith.constant 0 : i32
      %dma_wait3A_733 = tpu.memref_slice %arg3[%dma_wait3A_731, %dma_wait3A_732] : memref<1000008x128xf32, #tpu.memory_space<hbm>> -> memref<1000008x128xf32, #tpu.memory_space<hbm>>
      %dma_wait3A_734 = tpu.memref_slice %arg7[%dma_wait3A_723] : memref<2x!tpu.dma_semaphore, #tpu.memory_space<semaphore_mem>> -> memref<1x!tpu.dma_semaphore, #tpu.memory_space<semaphore_mem>>
      %dma_wait3A_735 = tpu.memref_squeeze %dma_wait3A_734 : memref<1x!tpu.dma_semaphore, #tpu.memory_space<semaphore_mem>> -> memref<!tpu.dma_semaphore, #tpu.memory_space<semaphore_mem>>
      tpu.wait_indirect_dma semaphore(%dma_wait3A_735 : memref<!tpu.dma_semaphore, #tpu.memory_space<semaphore_mem>>) src(%dma_wait3A_733 : memref<1000008x128xf32, #tpu.memory_space<hbm>>) dst(%dma_wait3A_727 : memref<128x128xf32, #tpu.memory_space<vmem>>)
      %add3A_736 = arith.constant 0 : i32
      %add3A_737 = arith.addi %add3A_720, %add3A_736 : i32
      %mul3A_738 = arith.constant 128 : i32
      %mul3A_739 = arith.muli %add3A_737, %mul3A_738 : i32
      %dma_start3A_740 = arith.constant 0 : i32
      %dma_start3A_741 = arith.constant 0 : i32
      %dma_start3A_742 = arith.constant 0 : i32
      %dma_start3A_743 = arith.constant 0 : i32
      %dma_start3A_744 = tpu.memref_slice %arg6[%dma_start3A_740, %dma_start3A_742, %dma_start3A_743] : memref<2x256x128xf32, #tpu.memory_space<vmem>> -> memref<1x128x128xf32, #tpu.memory_space<vmem>>
      %dma_start3A_745 = tpu.memref_squeeze %dma_start3A_744 : memref<1x128x128xf32, #tpu.memory_space<vmem>> -> memref<128x128xf32, #tpu.memory_space<vmem>>
      %dma_start3A_746 = arith.constant 0 : i32
      %dma_start3A_747 = tpu.memref_slice %arg4[%mul3A_739, %dma_start3A_746] : memref<819200x128xf32, #tpu.memory_space<hbm>> -> memref<128x128xf32, #tpu.memory_space<hbm>>
      %dma_start3A_748 = tpu.memref_slice %arg8[%dma_start3A_741] : memref<2x!tpu.dma_semaphore, #tpu.memory_space<semaphore_mem>> -> memref<1x!tpu.dma_semaphore, #tpu.memory_space<semaphore_mem>>
      %dma_start3A_749 = tpu.memref_squeeze %dma_start3A_748 : memref<1x!tpu.dma_semaphore, #tpu.memory_space<semaphore_mem>> -> memref<!tpu.dma_semaphore, #tpu.memory_space<semaphore_mem>>
      %dma_start3A_750 = arith.constant 0 : i32
      %dma_start3A_751 = tpu.memref_slice %arg4[%mul3A_739, %dma_start3A_750] : memref<819200x128xf32, #tpu.memory_space<hbm>> -> memref<128x128xf32, #tpu.memory_space<hbm>>
      %dma_start3A_752 = arith.constant 0 : i32
      %dma_start3A_753 = arith.constant 0 : i32
      %dma_start3A_754 = tpu.memref_slice %arg6[%dma_start3A_740, %dma_start3A_752, %dma_start3A_753] : memref<2x256x128xf32, #tpu.memory_space<vmem>> -> memref<1x128x128xf32, #tpu.memory_space<vmem>>
      %dma_start3A_755 = tpu.memref_squeeze %dma_start3A_754 : memref<1x128x128xf32, #tpu.memory_space<vmem>> -> memref<128x128xf32, #tpu.memory_space<vmem>>
      tpu.enqueue_dma source(%dma_start3A_755 : memref<128x128xf32, #tpu.memory_space<vmem>>) target(%dma_start3A_751 : memref<128x128xf32, #tpu.memory_space<hbm>>) target_semaphore(%dma_start3A_749 : memref<!tpu.dma_semaphore, #tpu.memory_space<semaphore_mem>>)
      %dma_wait3A_756 = arith.constant 1 : i32
      %dma_wait3A_757 = arith.constant 0 : i32
      %dma_wait3A_758 = arith.constant 0 : i32
      %dma_wait3A_759 = arith.constant 128 : i32
      %dma_wait3A_760 = arith.constant 0 : i32
      %dma_wait3A_761 = tpu.memref_slice %arg6[%dma_wait3A_757, %dma_wait3A_759, %dma_wait3A_760] : memref<2x256x128xf32, #tpu.memory_space<vmem>> -> memref<1x128x128xf32, #tpu.memory_space<vmem>>
      %dma_wait3A_762 = tpu.memref_squeeze %dma_wait3A_761 : memref<1x128x128xf32, #tpu.memory_space<vmem>> -> memref<128x128xf32, #tpu.memory_space<vmem>>
      %dma_wait3A_763 = arith.constant 0 : i32
      %dma_wait3A_764 = tpu.memref_slice %arg5[%dma_wait3A_756, %dma_wait3A_763] : memref<200x128xi32, #tpu.memory_space<vmem>> -> memref<1x128xi32, #tpu.memory_space<vmem>>
      %dma_wait3A_765 = tpu.memref_squeeze %dma_wait3A_764 : memref<1x128xi32, #tpu.memory_space<vmem>> -> memref<128xi32, #tpu.memory_space<vmem>>
      %dma_wait3A_766 = arith.constant 0 : i32
      %dma_wait3A_767 = arith.constant 0 : i32
      %dma_wait3A_768 = tpu.memref_slice %arg3[%dma_wait3A_766, %dma_wait3A_767] : memref<1000008x128xf32, #tpu.memory_space<hbm>> -> memref<1000008x128xf32, #tpu.memory_space<hbm>>
      %dma_wait3A_769 = tpu.memref_slice %arg7[%dma_wait3A_758] : memref<2x!tpu.dma_semaphore, #tpu.memory_space<semaphore_mem>> -> memref<1x!tpu.dma_semaphore, #tpu.memory_space<semaphore_mem>>
      %dma_wait3A_770 = tpu.memref_squeeze %dma_wait3A_769 : memref<1x!tpu.dma_semaphore, #tpu.memory_space<semaphore_mem>> -> memref<!tpu.dma_semaphore, #tpu.memory_space<semaphore_mem>>
      tpu.wait_indirect_dma semaphore(%dma_wait3A_770 : memref<!tpu.dma_semaphore, #tpu.memory_space<semaphore_mem>>) src(%dma_wait3A_768 : memref<1000008x128xf32, #tpu.memory_space<hbm>>) dst(%dma_wait3A_762 : memref<128x128xf32, #tpu.memory_space<vmem>>)
      %add3A_771 = arith.constant 1 : i32
      %add3A_772 = arith.addi %add3A_720, %add3A_771 : i32
      %mul3A_773 = arith.constant 128 : i32
      %mul3A_774 = arith.muli %add3A_772, %mul3A_773 : i32
      %dma_start3A_775 = arith.constant 0 : i32
      %dma_start3A_776 = arith.constant 0 : i32
      %dma_start3A_777 = arith.constant 128 : i32
      %dma_start3A_778 = arith.constant 0 : i32
      %dma_start3A_779 = tpu.memref_slice %arg6[%dma_start3A_775, %dma_start3A_777, %dma_start3A_778] : memref<2x256x128xf32, #tpu.memory_space<vmem>> -> memref<1x128x128xf32, #tpu.memory_space<vmem>>
      %dma_start3A_780 = tpu.memref_squeeze %dma_start3A_779 : memref<1x128x128xf32, #tpu.memory_space<vmem>> -> memref<128x128xf32, #tpu.memory_space<vmem>>
      %dma_start3A_781 = arith.constant 0 : i32
      %dma_start3A_782 = tpu.memref_slice %arg4[%mul3A_774, %dma_start3A_781] : memref<819200x128xf32, #tpu.memory_space<hbm>> -> memref<128x128xf32, #tpu.memory_space<hbm>>
      %dma_start3A_783 = tpu.memref_slice %arg8[%dma_start3A_776] : memref<2x!tpu.dma_semaphore, #tpu.memory_space<semaphore_mem>> -> memref<1x!tpu.dma_semaphore, #tpu.memory_space<semaphore_mem>>
      %dma_start3A_784 = tpu.memref_squeeze %dma_start3A_783 : memref<1x!tpu.dma_semaphore, #tpu.memory_space<semaphore_mem>> -> memref<!tpu.dma_semaphore, #tpu.memory_space<semaphore_mem>>
      %dma_start3A_785 = arith.constant 0 : i32
      %dma_start3A_786 = tpu.memref_slice %arg4[%mul3A_774, %dma_start3A_785] : memref<819200x128xf32, #tpu.memory_space<hbm>> -> memref<128x128xf32, #tpu.memory_space<hbm>>
      %dma_start3A_787 = arith.constant 128 : i32
      %dma_start3A_788 = arith.constant 0 : i32
      %dma_start3A_789 = tpu.memref_slice %arg6[%dma_start3A_775, %dma_start3A_787, %dma_start3A_788] : memref<2x256x128xf32, #tpu.memory_space<vmem>> -> memref<1x128x128xf32, #tpu.memory_space<vmem>>
      %dma_start3A_790 = tpu.memref_squeeze %dma_start3A_789 : memref<1x128x128xf32, #tpu.memory_space<vmem>> -> memref<128x128xf32, #tpu.memory_space<vmem>>
      tpu.enqueue_dma source(%dma_start3A_790 : memref<128x128xf32, #tpu.memory_space<vmem>>) target(%dma_start3A_786 : memref<128x128xf32, #tpu.memory_space<hbm>>) target_semaphore(%dma_start3A_784 : memref<!tpu.dma_semaphore, #tpu.memory_space<semaphore_mem>>)
    }
    %scan3A_7 = arith.constant 50 : i32
    %add3A_8 = arith.constant 198 : i32
    %add3A_9 = arith.addi %mul3A_2, %add3A_8 : i32
    %dma_wait3A = arith.constant 0 : i32
    %dma_wait3A_10 = arith.constant 1 : i32
    %dma_wait3A_11 = arith.constant 1 : i32
    %dma_wait3A_12 = arith.constant 0 : i32
    %dma_wait3A_13 = arith.constant 0 : i32
    %dma_wait3A_14 = tpu.memref_slice %arg6[%dma_wait3A_10, %dma_wait3A_12, %dma_wait3A_13] : memref<2x256x128xf32, #tpu.memory_space<vmem>> -> memref<1x128x128xf32, #tpu.memory_space<vmem>>
    %dma_wait3A_15 = tpu.memref_squeeze %dma_wait3A_14 : memref<1x128x128xf32, #tpu.memory_space<vmem>> -> memref<128x128xf32, #tpu.memory_space<vmem>>
    %dma_wait3A_16 = arith.constant 0 : i32
    %dma_wait3A_17 = tpu.memref_slice %arg5[%dma_wait3A, %dma_wait3A_16] : memref<200x128xi32, #tpu.memory_space<vmem>> -> memref<1x128xi32, #tpu.memory_space<vmem>>
    %dma_wait3A_18 = tpu.memref_squeeze %dma_wait3A_17 : memref<1x128xi32, #tpu.memory_space<vmem>> -> memref<128xi32, #tpu.memory_space<vmem>>
    %dma_wait3A_19 = arith.constant 0 : i32
    %dma_wait3A_20 = arith.constant 0 : i32
    %dma_wait3A_21 = tpu.memref_slice %arg3[%dma_wait3A_19, %dma_wait3A_20] : memref<1000008x128xf32, #tpu.memory_space<hbm>> -> memref<1000008x128xf32, #tpu.memory_space<hbm>>
    %dma_wait3A_22 = tpu.memref_slice %arg7[%dma_wait3A_11] : memref<2x!tpu.dma_semaphore, #tpu.memory_space<semaphore_mem>> -> memref<1x!tpu.dma_semaphore, #tpu.memory_space<semaphore_mem>>
    %dma_wait3A_23 = tpu.memref_squeeze %dma_wait3A_22 : memref<1x!tpu.dma_semaphore, #tpu.memory_space<semaphore_mem>> -> memref<!tpu.dma_semaphore, #tpu.memory_space<semaphore_mem>>
    tpu.wait_indirect_dma semaphore(%dma_wait3A_23 : memref<!tpu.dma_semaphore, #tpu.memory_space<semaphore_mem>>) src(%dma_wait3A_21 : memref<1000008x128xf32, #tpu.memory_space<hbm>>) dst(%dma_wait3A_15 : memref<128x128xf32, #tpu.memory_space<vmem>>)
    %add3A_24 = arith.constant 0 : i32
    %add3A_25 = arith.addi %add3A_9, %add3A_24 : i32
    %mul3A_26 = arith.constant 128 : i32
    %mul3A_27 = arith.muli %add3A_25, %mul3A_26 : i32
    %dma_start3A = arith.constant 1 : i32
    %dma_start3A_28 = arith.constant 1 : i32
    %dma_start3A_29 = arith.constant 0 : i32
    %dma_start3A_30 = arith.constant 0 : i32
    %dma_start3A_31 = tpu.memref_slice %arg6[%dma_start3A, %dma_start3A_29, %dma_start3A_30] : memref<2x256x128xf32, #tpu.memory_space<vmem>> -> memref<1x128x128xf32, #tpu.memory_space<vmem>>
    %dma_start3A_32 = tpu.memref_squeeze %dma_start3A_31 : memref<1x128x128xf32, #tpu.memory_space<vmem>> -> memref<128x128xf32, #tpu.memory_space<vmem>>
    %dma_start3A_33 = arith.constant 0 : i32
    %dma_start3A_34 = tpu.memref_slice %arg4[%mul3A_27, %dma_start3A_33] : memref<819200x128xf32, #tpu.memory_space<hbm>> -> memref<128x128xf32, #tpu.memory_space<hbm>>
    %dma_start3A_35 = tpu.memref_slice %arg8[%dma_start3A_28] : memref<2x!tpu.dma_semaphore, #tpu.memory_space<semaphore_mem>> -> memref<1x!tpu.dma_semaphore, #tpu.memory_space<semaphore_mem>>
    %dma_start3A_36 = tpu.memref_squeeze %dma_start3A_35 : memref<1x!tpu.dma_semaphore, #tpu.memory_space<semaphore_mem>> -> memref<!tpu.dma_semaphore, #tpu.memory_space<semaphore_mem>>
    %dma_start3A_37 = arith.constant 0 : i32
    %dma_start3A_38 = tpu.memref_slice %arg4[%mul3A_27, %dma_start3A_37] : memref<819200x128xf32, #tpu.memory_space<hbm>> -> memref<128x128xf32, #tpu.memory_space<hbm>>
    %dma_start3A_39 = arith.constant 0 : i32
    %dma_start3A_40 = arith.constant 0 : i32
    %dma_start3A_41 = tpu.memref_slice %arg6[%dma_start3A, %dma_start3A_39, %dma_start3A_40] : memref<2x256x128xf32, #tpu.memory_space<vmem>> -> memref<1x128x128xf32, #tpu.memory_space<vmem>>
    %dma_start3A_42 = tpu.memref_squeeze %dma_start3A_41 : memref<1x128x128xf32, #tpu.memory_space<vmem>> -> memref<128x128xf32, #tpu.memory_space<vmem>>
    tpu.enqueue_dma source(%dma_start3A_42 : memref<128x128xf32, #tpu.memory_space<vmem>>) target(%dma_start3A_38 : memref<128x128xf32, #tpu.memory_space<hbm>>) target_semaphore(%dma_start3A_36 : memref<!tpu.dma_semaphore, #tpu.memory_space<semaphore_mem>>)
    %dma_wait3A_43 = arith.constant 1 : i32
    %dma_wait3A_44 = arith.constant 1 : i32
    %dma_wait3A_45 = arith.constant 1 : i32
    %dma_wait3A_46 = arith.constant 128 : i32
    %dma_wait3A_47 = arith.constant 0 : i32
    %dma_wait3A_48 = tpu.memref_slice %arg6[%dma_wait3A_44, %dma_wait3A_46, %dma_wait3A_47] : memref<2x256x128xf32, #tpu.memory_space<vmem>> -> memref<1x128x128xf32, #tpu.memory_space<vmem>>
    %dma_wait3A_49 = tpu.memref_squeeze %dma_wait3A_48 : memref<1x128x128xf32, #tpu.memory_space<vmem>> -> memref<128x128xf32, #tpu.memory_space<vmem>>
    %dma_wait3A_50 = arith.constant 0 : i32
    %dma_wait3A_51 = tpu.memref_slice %arg5[%dma_wait3A_43, %dma_wait3A_50] : memref<200x128xi32, #tpu.memory_space<vmem>> -> memref<1x128xi32, #tpu.memory_space<vmem>>
    %dma_wait3A_52 = tpu.memref_squeeze %dma_wait3A_51 : memref<1x128xi32, #tpu.memory_space<vmem>> -> memref<128xi32, #tpu.memory_space<vmem>>
    %dma_wait3A_53 = arith.constant 0 : i32
    %dma_wait3A_54 = arith.constant 0 : i32
    %dma_wait3A_55 = tpu.memref_slice %arg3[%dma_wait3A_53, %dma_wait3A_54] : memref<1000008x128xf32, #tpu.memory_space<hbm>> -> memref<1000008x128xf32, #tpu.memory_space<hbm>>
    %dma_wait3A_56 = tpu.memref_slice %arg7[%dma_wait3A_45] : memref<2x!tpu.dma_semaphore, #tpu.memory_space<semaphore_mem>> -> memref<1x!tpu.dma_semaphore, #tpu.memory_space<semaphore_mem>>
    %dma_wait3A_57 = tpu.memref_squeeze %dma_wait3A_56 : memref<1x!tpu.dma_semaphore, #tpu.memory_space<semaphore_mem>> -> memref<!tpu.dma_semaphore, #tpu.memory_space<semaphore_mem>>
    tpu.wait_indirect_dma semaphore(%dma_wait3A_57 : memref<!tpu.dma_semaphore, #tpu.memory_space<semaphore_mem>>) src(%dma_wait3A_55 : memref<1000008x128xf32, #tpu.memory_space<hbm>>) dst(%dma_wait3A_49 : memref<128x128xf32, #tpu.memory_space<vmem>>)
    %add3A_58 = arith.constant 1 : i32
    %add3A_59 = arith.addi %add3A_9, %add3A_58 : i32
    %mul3A_60 = arith.constant 128 : i32
    %mul3A_61 = arith.muli %add3A_59, %mul3A_60 : i32
    %dma_start3A_62 = arith.constant 1 : i32
    %dma_start3A_63 = arith.constant 1 : i32
    %dma_start3A_64 = arith.constant 128 : i32
    %dma_start3A_65 = arith.constant 0 : i32
    %dma_start3A_66 = tpu.memref_slice %arg6[%dma_start3A_62, %dma_start3A_64, %dma_start3A_65] : memref<2x256x128xf32, #tpu.memory_space<vmem>> -> memref<1x128x128xf32, #tpu.memory_space<vmem>>
    %dma_start3A_67 = tpu.memref_squeeze %dma_start3A_66 : memref<1x128x128xf32, #tpu.memory_space<vmem>> -> memref<128x128xf32, #tpu.memory_space<vmem>>
    %dma_start3A_68 = arith.constant 0 : i32
    %dma_start3A_69 = tpu.memref_slice %arg4[%mul3A_61, %dma_start3A_68] : memref<819200x128xf32, #tpu.memory_space<hbm>> -> memref<128x128xf32, #tpu.memory_space<hbm>>
    %dma_start3A_70 = tpu.memref_slice %arg8[%dma_start3A_63] : memref<2x!tpu.dma_semaphore, #tpu.memory_space<semaphore_mem>> -> memref<1x!tpu.dma_semaphore, #tpu.memory_space<semaphore_mem>>
    %dma_start3A_71 = tpu.memref_squeeze %dma_start3A_70 : memref<1x!tpu.dma_semaphore, #tpu.memory_space<semaphore_mem>> -> memref<!tpu.dma_semaphore, #tpu.memory_space<semaphore_mem>>
    %dma_start3A_72 = arith.constant 0 : i32
    %dma_start3A_73 = tpu.memref_slice %arg4[%mul3A_61, %dma_start3A_72] : memref<819200x128xf32, #tpu.memory_space<hbm>> -> memref<128x128xf32, #tpu.memory_space<hbm>>
    %dma_start3A_74 = arith.constant 128 : i32
    %dma_start3A_75 = arith.constant 0 : i32
    %dma_start3A_76 = tpu.memref_slice %arg6[%dma_start3A_62, %dma_start3A_74, %dma_start3A_75] : memref<2x256x128xf32, #tpu.memory_space<vmem>> -> memref<1x128x128xf32, #tpu.memory_space<vmem>>
    %dma_start3A_77 = tpu.memref_squeeze %dma_start3A_76 : memref<1x128x128xf32, #tpu.memory_space<vmem>> -> memref<128x128xf32, #tpu.memory_space<vmem>>
    tpu.enqueue_dma source(%dma_start3A_77 : memref<128x128xf32, #tpu.memory_space<vmem>>) target(%dma_start3A_73 : memref<128x128xf32, #tpu.memory_space<hbm>>) target_semaphore(%dma_start3A_71 : memref<!tpu.dma_semaphore, #tpu.memory_space<semaphore_mem>>)
    %dma_wait3A_78 = arith.constant 0 : i32
    %dma_wait3A_79 = arith.constant 0 : i32
    %dma_wait3A_80 = arith.constant 0 : i32
    %dma_wait3A_81 = arith.constant 0 : i32
    %dma_wait3A_82 = tpu.memref_slice %arg6[%dma_wait3A_78, %dma_wait3A_80, %dma_wait3A_81] : memref<2x256x128xf32, #tpu.memory_space<vmem>> -> memref<1x256x128xf32, #tpu.memory_space<vmem>>
    %dma_wait3A_83 = tpu.memref_squeeze %dma_wait3A_82 : memref<1x256x128xf32, #tpu.memory_space<vmem>> -> memref<256x128xf32, #tpu.memory_space<vmem>>
    %dma_wait3A_84 = arith.constant 0 : i32
    %dma_wait3A_85 = arith.constant 0 : i32
    %dma_wait3A_86 = tpu.memref_slice %arg4[%dma_wait3A_84, %dma_wait3A_85] : memref<819200x128xf32, #tpu.memory_space<hbm>> -> memref<256x128xf32, #tpu.memory_space<hbm>>
    %dma_wait3A_87 = tpu.memref_slice %arg8[%dma_wait3A_79] : memref<2x!tpu.dma_semaphore, #tpu.memory_space<semaphore_mem>> -> memref<1x!tpu.dma_semaphore, #tpu.memory_space<semaphore_mem>>
    %dma_wait3A_88 = tpu.memref_squeeze %dma_wait3A_87 : memref<1x!tpu.dma_semaphore, #tpu.memory_space<semaphore_mem>> -> memref<!tpu.dma_semaphore, #tpu.memory_space<semaphore_mem>>
    %dma_wait3A_89 = arith.constant 0 : i32
    %dma_wait3A_90 = arith.constant 0 : i32
    %dma_wait3A_91 = tpu.memref_slice %arg4[%dma_wait3A_89, %dma_wait3A_90] : memref<819200x128xf32, #tpu.memory_space<hbm>> -> memref<256x128xf32, #tpu.memory_space<hbm>>
    %dma_wait3A_92 = arith.constant 0 : i32
    %dma_wait3A_93 = arith.constant 0 : i32
    %dma_wait3A_94 = tpu.memref_slice %arg6[%dma_wait3A_78, %dma_wait3A_92, %dma_wait3A_93] : memref<2x256x128xf32, #tpu.memory_space<vmem>> -> memref<1x256x128xf32, #tpu.memory_space<vmem>>
    %dma_wait3A_95 = tpu.memref_squeeze %dma_wait3A_94 : memref<1x256x128xf32, #tpu.memory_space<vmem>> -> memref<256x128xf32, #tpu.memory_space<vmem>>
    tpu.wait_dma2 semaphore(%dma_wait3A_88 : memref<!tpu.dma_semaphore, #tpu.memory_space<semaphore_mem>>) src(%dma_wait3A_95 : memref<256x128xf32, #tpu.memory_space<vmem>>) dst(%dma_wait3A_91 : memref<256x128xf32, #tpu.memory_space<hbm>>)
    %dma_wait3A_96 = arith.constant 1 : i32
    %dma_wait3A_97 = arith.constant 1 : i32
    %dma_wait3A_98 = arith.constant 0 : i32
    %dma_wait3A_99 = arith.constant 0 : i32
    %dma_wait3A_100 = tpu.memref_slice %arg6[%dma_wait3A_96, %dma_wait3A_98, %dma_wait3A_99] : memref<2x256x128xf32, #tpu.memory_space<vmem>> -> memref<1x256x128xf32, #tpu.memory_space<vmem>>
    %dma_wait3A_101 = tpu.memref_squeeze %dma_wait3A_100 : memref<1x256x128xf32, #tpu.memory_space<vmem>> -> memref<256x128xf32, #tpu.memory_space<vmem>>
    %dma_wait3A_102 = arith.constant 0 : i32
    %dma_wait3A_103 = arith.constant 0 : i32
    %dma_wait3A_104 = tpu.memref_slice %arg4[%dma_wait3A_102, %dma_wait3A_103] : memref<819200x128xf32, #tpu.memory_space<hbm>> -> memref<256x128xf32, #tpu.memory_space<hbm>>
    %dma_wait3A_105 = tpu.memref_slice %arg8[%dma_wait3A_97] : memref<2x!tpu.dma_semaphore, #tpu.memory_space<semaphore_mem>> -> memref<1x!tpu.dma_semaphore, #tpu.memory_space<semaphore_mem>>
    %dma_wait3A_106 = tpu.memref_squeeze %dma_wait3A_105 : memref<1x!tpu.dma_semaphore, #tpu.memory_space<semaphore_mem>> -> memref<!tpu.dma_semaphore, #tpu.memory_space<semaphore_mem>>
    %dma_wait3A_107 = arith.constant 0 : i32
    %dma_wait3A_108 = arith.constant 0 : i32
    %dma_wait3A_109 = tpu.memref_slice %arg4[%dma_wait3A_107, %dma_wait3A_108] : memref<819200x128xf32, #tpu.memory_space<hbm>> -> memref<256x128xf32, #tpu.memory_space<hbm>>
    %dma_wait3A_110 = arith.constant 0 : i32
    %dma_wait3A_111 = arith.constant 0 : i32
    %dma_wait3A_112 = tpu.memref_slice %arg6[%dma_wait3A_96, %dma_wait3A_110, %dma_wait3A_111] : memref<2x256x128xf32, #tpu.memory_space<vmem>> -> memref<1x256x128xf32, #tpu.memory_space<vmem>>
    %dma_wait3A_113 = tpu.memref_squeeze %dma_wait3A_112 : memref<1x256x128xf32, #tpu.memory_space<vmem>> -> memref<256x128xf32, #tpu.memory_space<vmem>>
    tpu.wait_dma2 semaphore(%dma_wait3A_106 : memref<!tpu.dma_semaphore, #tpu.memory_space<semaphore_mem>>) src(%dma_wait3A_113 : memref<256x128xf32, #tpu.memory_space<vmem>>) dst(%dma_wait3A_109 : memref<256x128xf32, #tpu.memory_space<hbm>>)
    return
  }
}

</mosaic_0001>

<sc_bundles>
// kernel: kernel.3.cloned.1.call-start
scs
__scs_entry_jumppad:
0x0: {  	(pc) =	sbr.rel $0x88, $3  }
0x1: {  	(tag) =	ssettag $0x0;
	lr =	simm.s32 $0x1  }
0x2: {  	[smem:$0x3F9F] =	sst lr;
	_ =	strace $0xD0000000  }
0x3: {  	_ = 	snop  }
0x4: {  	_ = 	snop  }
0x5: {  	_ = 	snop  }
0x6: {  	_ = 	snop  }
0x7: {  	_ = 	snop  }
__scs_overlays_trampoline_lowered:
0x8: {  	[smem:$0x3FAE] =	sst s0  }
0x9: {  	[smem:$0x3FAF] =	sst s1  }
0xa: {  	[smem:$0x3FB0] =	sst s2  }
0xb: {  	[smem:$0x3FB1] =	sst s3  }
0xc: {  	[smem:$0x3FB2] =	sst s4  }
0xd: {  	[smem:$0x3FB3] =	sst s5  }
0xe: {  	[smem:$0x3FB4] =	sst s6  }
0xf: {  	[smem:$0x3FB5] =	sst s7  }
0x10: {  	[smem:$0x3FB6] =	sst s8  }
0x11: {  	[smem:$0x3FB7] =	sst s9;
	s0 =	simm.s32 @!p0 $0x0  }
0x12: {  	s1 =	sld [smem:$0x3F9D];
	s0 =	simm.s32 @p0 $0x1  }
0x13: {  	[smem:$0x3FB8] =	sst s0;
	s0 =	simm.s32 @!p1 $0x0  }
0x14: {  	s2 =	sld [smem:$0x3F9C];
	s0 =	simm.s32 @p1 $0x1  }
0x15: {  	[smem:$0x3FB9] =	sst s0;
	s0 =	simm.s32 @!p2 $0x0  }
0x16: {  	s3 =	sld [smem:$0x3FDB];
	s0 =	simm.s32 @p2 $0x1  }
0x17: {  	s4 =	simm.s32 $0x1BF5;
	[smem:$0x3FBB] =	sst s0  }
0x18: {  	s0 =	sld [smem:$0x3F9E];
	_ =	swait.ge [sflag:s4], $0x0  }
0x19: {  	s7 =	sld [smem:$0x3F9F]  }
0x1a: {  	s8 =	sadd.s32 $0xFFFFE003, lr  }
0x1b: {  	s9 =	sadd.s32 $0xFFFFFEF7, lr;
	s5 =	simm.s32 $0xFFFFFFFF;
	p2 =	slt.u32 s8, $0xFFFFF086  }
0x1c: {  	p1 =	slt.u32 s9, $0xF7A;
	s5 =	simm.s32 @!p2 $0x0  }
0x1d: {  	s5 =	simm.s32 @p1 $0x1;
	p0 =	seq.s32 s7, s2  }
0x1e: {  	s7 =	smul.u32 @!p0 $0xF7A, s2;
	p2 =	seq.s32 @!p0 s5, $0x0  }
0x1f: {  	s9 =	smul.u32 $0xF7A, s1;
	s8 =	simm.s32 @!p0 $0x1BF5;
	p2 =	por !p2, p0  }
0x20: {  	[sflag:s8] =	ssyncset.s32 @!p0 $0xFFFFF086;
	s6 =	sadd.s32 @!p0 s3, s7;
	s7 =	simm.s32 @!p0 $0x108  }
0x21: {  	s3 =	sadd.s32 s3, s9;
	s6 =	sadd.s32 @!p0 $0x88, s6;
	s7 =	simm.s32 @p2 $0x1082  }
0x22: {  	[simem:s7], [sflag:s8] =	dma.local @!p0 [hbm:s6], $0xF7A  }
0x23: {  	s9 =	sor.u32 $0xD0000000, s2;
	s6 =	simm.s32 $0x108;
	_ =	swait.ge @!p0 [sflag:s8], $0x0  }
0x24: {  	s3 =	sadd.s32 $0x88, s3;
	s6 =	simm.s32 @!p1 $0x1082;
	[sflag:s4] =	ssyncset.s32 $0xFFFFF086  }
0x25: {  	[simem:s6], [sflag:s4] =	dma.local [hbm:s3], $0xF7A  }
0x26: {  	[smem:$0x3F9F] =	sst s1;
	(tag) =	ssettag s2;
	_ =	strace s9  }
0x27: {  	s1 =	sld [smem:$0x3FAF]  }
0x28: {  	s2 =	sld [smem:$0x3FB0]  }
0x29: {  	s4 =	sld [smem:$0x3FB2]  }
0x2a: {  	p0 =	seq.s32 s5, $0x0;
	s5 =	sld [smem:$0x3FB3]  }
0x2b: {  	s6 =	sld [smem:$0x3FB4]  }
0x2c: {  	s7 =	sld [smem:$0x3FB5]  }
0x2d: {  	s3 =	simm.s32 $0x108;
	s8 =	sld [smem:$0x3FB6]  }
0x2e: {  	s3 =	simm.s32 @!p0 $0x1082;
	s9 =	sld [smem:$0x3FB7]  }
0x2f: {  	lr =	sadd.s32 s0, s3;
	s0 =	sld [smem:$0x3FAE]  }
0x30: {  	s3 =	sld [smem:$0x3FB1]  }
0x31: {  	[smem:$0x3FBA] =	sst s10  }
0x32: {  	s10 =	sld [smem:$0x3FB8];
	_ =	sdelay $0x3  }
0x33: {  	p0 =	seq.s32 s10, $0x1;
	s10 =	sld [smem:$0x3FBA];
	_ =	sdelay $0x3  }
0x34: {  	[smem:$0x3FBA] =	sst s10  }
0x35: {  	s10 =	sld [smem:$0x3FB9];
	_ =	sdelay $0x3  }
0x36: {  	p1 =	seq.s32 s10, $0x1;
	s10 =	sld [smem:$0x3FBA];
	_ =	sdelay $0x3  }
0x37: {  	[smem:$0x3FBA] =	sst s10  }
0x38: {  	s10 =	sld [smem:$0x3FBB]  }
0x39: {  	_ = 	snop;
	(pc) =	sbr.ind lr, $3  }
0x3a: {  	_ = 	snop  }
0x3b: {  	_ = 	snop  }
0x3c: {  	p2 =	seq.s32 s10, $0x1;
	s10 =	sld [smem:$0x3FBA]  }
0x3d: {  	_ =	shalt  }
0x3e: {  	_ =	shalt  }
0x3f: {  	_ =	shalt  }
0x40: {  	_ =	shalt  }
0x41: {  	_ =	shalt  }
0x42: {  	_ =	shalt  }
0x43: {  	_ =	shalt  }
0x44: {  	_ =	shalt  }
0x45: {  	_ =	shalt  }
0x46: {  	_ =	shalt  }
0x47: {  	_ =	shalt  }
0x48: {  	_ =	shalt  }
0x49: {  	_ =	shalt  }
0x4a: {  	_ =	shalt  }
0x4b: {  	_ =	shalt  }
0x4c: {  	_ =	shalt  }
0x4d: {  	_ =	shalt  }
0x4e: {  	_ =	shalt  }
0x4f: {  	_ =	shalt  }
0x50: {  	_ =	shalt  }
0x51: {  	_ =	shalt  }
0x52: {  	_ =	shalt  }
0x53: {  	_ =	shalt  }
0x54: {  	_ =	shalt  }
0x55: {  	_ =	shalt  }
0x56: {  	_ =	shalt  }
0x57: {  	_ =	shalt  }
0x58: {  	_ =	shalt  }
0x59: {  	_ =	shalt  }
0x5a: {  	_ =	shalt  }
0x5b: {  	_ =	shalt  }
0x5c: {  	_ =	shalt  }
0x5d: {  	_ =	shalt  }
0x5e: {  	_ =	shalt  }
0x5f: {  	_ =	shalt  }
0x60: {  	_ =	shalt  }
0x61: {  	_ =	shalt  }
0x62: {  	_ =	shalt  }
0x63: {  	_ =	shalt  }
0x64: {  	_ =	shalt  }
0x65: {  	_ =	shalt  }
0x66: {  	_ =	shalt  }
0x67: {  	_ =	shalt  }
0x68: {  	_ =	shalt  }
0x69: {  	_ =	shalt  }
0x6a: {  	_ =	shalt  }
0x6b: {  	_ =	shalt  }
0x6c: {  	_ =	shalt  }
0x6d: {  	_ =	shalt  }
0x6e: {  	_ =	shalt  }
0x6f: {  	_ =	shalt  }
0x70: {  	_ =	shalt  }
0x71: {  	_ =	shalt  }
0x72: {  	_ =	shalt  }
0x73: {  	_ =	shalt  }
0x74: {  	_ =	shalt  }
0x75: {  	_ =	shalt  }
0x76: {  	_ =	shalt  }
0x77: {  	_ =	shalt  }
0x78: {  	_ =	shalt  }
0x79: {  	_ =	shalt  }
0x7a: {  	_ =	shalt  }
0x7b: {  	_ =	shalt  }
0x7c: {  	_ =	shalt  }
0x7d: {  	_ =	shalt  }
0x7e: {  	_ =	shalt  }
0x7f: {  	_ =	shalt  }
0x80: {  	_ =	shalt  }
0x81: {  	_ =	shalt  }
0x82: {  	_ =	shalt  }
0x83: {  	_ =	shalt  }
0x84: {  	_ =	shalt  }
0x85: {  	_ =	shalt  }
0x86: {  	_ =	shalt  }
0x87: {  	_ =	shalt  }
.Lfunc_end0:
.L_simem_size_0:
called_computation.1_lowered:
.L_overlay_start_0:
0x88: {  	s2 =	sld [smem:$0x3FD9]  }
0x89: {  	s3 =	sld [smem:$0x3FFE];
	_ =	sdelay $0x1  }
0x8a: {  	s1 =	srdreg.scid  }
0x8b: {  	s0 =	sand.u32 $0x1, s1  }
0x8c: {  	s17 =	sshll.u32 s0, $0xA;
	s2 =	sadd.s32 s3, s2  }
0x8d: {  	s2 =	sadd.s32 s2, s17  }
0x8e: {  	[smem:$0x3FC6] =	sst s2  }
0x8f: {  	_ = 	snop  }
0x90: {  	s2 =	sld [smem:$0x3FD0];
	(tm) =	ssettm $0x1  }
0x91: {  	s18 =	sld [smem:$0x3FFB];
	_ =	sdelay $0x3  }
0x92: {  	_ =	strace s18  }
0x93: {  	s3 =	sld [smem:$0x3FFC];
	_ =	sdelay $0x3  }
0x94: {  	_ =	strace s3  }
0x95: {  	s3 =	sld [smem:$0x3FFD];
	_ =	sdelay $0x3  }
0x96: {  	_ =	strace s3  }
0x97: {  	_ =	strace $0x8FFFFFFF  }
0x98: {  	s19 =	sld [smem:$0x3FDB];
	_ =	sdelay $0x1  }
0x99: {  	s4 =	simm.s32 $_scs_section_size  }
0x9a: {  	s5 =	simm.s32 $_size__tile_overlayer_lowered;
	s6 =	simm.s32 $_tile_overlayer_lowered  }
0x9b: {  	s22 =	simm.s32 $0x1BFF;
	s21 =	sshll.u32 s6, $0x1;
	s3 =	sadd.s32 s4, s19  }
0x9c: {  	s7 =	simm.s32 $0x0;
	s20 =	sshll.u32 s5, $0x1;
	s5 =	sadd.s32 s21, s3  }
0x9d: {  	[timem:s7], [sflag:s22] =	dma.local [hbm:s5], s20  }
0x9e: {  	_ =	swait.ge [sflag:s22], s20  }
0x9f: {  	s4 =	ssub.s32 $0x0, s20;
	[sflag:s22] =	ssyncset.done $0x0  }
0xa0: {  	[sflag:s22] =	ssyncadd.s32 s4;
	_ =	sdelay $0x1  }
0xa1: {  	s23 =	simm.s32 $0x1B8B  }
0xa2: {  	_ =	swait.ge [sflag:s23], $0x1  }
0xa3: {  	[sflag:s23] =	ssyncset.done $0x0  }
0xa4: {  	s25 =	simm.s32 $0x1B8E;
	s24 =	sld [smem:$0x3FFE];
	[sflag:s23] =	ssyncadd.s32 $0xFFFFFFFF  }
0xa5: {  	s26 =	simm.s32 $execute0_lowered;
	[smem:$0x3FD2] =	sst s25  }
0xa6: {  	s5 =	sshll.u32 s26, $0x1;
	_ =	strace $0x80000046;
	[dreg:$0x1] =	wrdreg $0xFFFFFFFF  }
0xa7: {  	s28 =	simm.s32 $_size_execute0_lowered;
	s3 =	sadd.s32 s3, s5;
	[dreg:$0x0] =	wrdreg $0x0  }
0xa8: {  	s5 =	sshll.u32 s28, $0x1;
	[dreg:$0x2] =	wrdreg s3  }
0xa9: {  	[dreg:$0x3] =	wrdreg s5  }
0xaa: {  	[dreg:$0x4] =	wrdreg $0xC0  }
0xab: {  	_ =	task [dreg:s7], $0x5FFFF  }
0xac: {  	[dreg:$0x1] =	wrdreg $0xFFFFFFFF  }
0xad: {  	[dreg:$0x0] =	wrdreg $0x60  }
0xae: {  	[dreg:$0x2] =	wrdreg s2  }
0xaf: {  	[dreg:$0x3] =	wrdreg s24  }
0xb0: {  	[dreg:$0x4] =	wrdreg $0x9  }
0xb1: {  	_ =	task.clear_ibuf [dreg:s7], $0x5FFFF;
	_ =	strace $0x90000046  }
0xb2: {  	s29 =	simm.s32 $0x9;
	_ =	strace $0x80000048  }
0xb3: {  	_ =	swait.ge [sflag:s29], $0x1  }
0xb4: {  	[sflag:s29] =	ssyncadd.s32 $0xFFFFFFFF  }
0xb5: {  	_ =	strace $0x90000048  }
0xb6: {  	_ =	sfence  }
0xb7: {  	s30 =	sld [smem:$0x0];
	_ =	sdelay $0x2  }
0xb8: {  	s31 =	sshll.u32 s1, $0xD;
	s1 =	sshrl.u32 s1, $0x2  }
0xb9: {  	s3 =	sand.u32 $0x4000, s31;
	s1 =	sadd.s32 s1, s30  }
0xba: {  	s0 =	sor.u32 s3, s0;
	s1 =	sshll.u32 s1, $0x11  }
0xbb: {  	s0 =	sor.u32 s1, s0  }
0xbc: {  	s0 =	sadd.s32 $0x8F2B, s0  }
0xbd: {  	[sflag:s0] =	ssyncadd.remote.s32 $0x1  }
0xbe: {  	_ =	sfence.sel $0xFFFF  }
0xbf: {  	[dreg:$0x0] =	wrdreg $0xFFFFFFFF;
	(pc) =	sbr.abs _section_cstart, $3  }
0xc0: {  	[dreg:$0x1] =	wrdreg $0xFFFFFFFF  }
0xc1: {  	_ =	task.clear_ibuf [dreg:s7], $0x2FFFF;
	_ =	strace $0x9FFFFFFF  }
0xc2: {  	(tm) =	ssettm $0x7FFFFFFF  }
0xc3: {  	_ =	shalt  }
tec
execute0_lowered:
.L_overlay_start_1:
0x0: {  	(tag) =	ssettag $0x1  }
0x1: {  	s5 =	rddreg [dreg:$0x0]  }
0x2: {  	s6 =	rddreg [dreg:$0x1];
	s3 =	srdreg.scid  }
0x3: {  	s1 =	stileid.u32;
	s2 =	simm.s32 $0x0;
	s12 =	simm.s32 $0xE400  }
0x4: {  	s13 =	simm.s32 $0x12400;
	s14 =	simm.s32 $0x1;
	s15 =	simm.s32 $0x6400  }
0x5: {  	s16 =	simm.s32 $0xA400;
	s17 =	simm.s32 $0x2;
	s18 =	simm.s32 $0x3  }
0x6: {  	s19 =	simm.s32 $0x4;
	s20 =	simm.s32 $0x0;
	s7 =	sand.u32 $0x1, s3  }
0x7: {  	s28 =	sshll.u32 s1, $0x1;
	[smem:$0x7FF] =	sst s2;
	s3 =	sadd.s32 $0xF43000, s6  }
0x8: {  	s30 =	smul.u32 $0xC8000, s1;
	s4 =	sor.u32 s7, s28;
	s8 =	ssub.s32 $0x2, s7  }
0x9: {  	_ =	strace $0x80000047;
	s9 =	smul.u32 $0xC80, s4;
	s10 =	sshrl.u32 s8, $0x1  }
0xa: {  	s11 =	smul.u32 $0x320000, s4;
	s4 =	sadd.s32 $0xA00, s6;
	s6 =	sadd.s32 $0x1200, s6  }
0xb: {  	s31 =	smul.u32 $0x64000, s7;
	s8 =	ssub.s32 s8, s10;
	[dreg:$0x3] =	wrdreg s6  }
0xc: {  	s10 =	simm.s32 $0x5;
	s5 =	sadd.s32 s5, s9;
	s29 =	sshrl.u32 s11, $0x3  }
0xd: {  	s8 =	smax.u32 s8, $0x1;
	s11 =	simm.s32 $0x80;
	s9 =	sadd.s32 s4, s29  }
0xe: {  	s6 =	sadd.s32 $0x63000, s9;
	s7 =	sadd.s32 $0x63800, s9;
	s9 =	sadd.s32 s31, s30  }
.LBB2_1:
0xf: {  	[tilespmem:s2], [sflag:$0x5] =	stream.linear.gather [hbm4b:s5+s2], $0x6400, $0x38;
	[tilespmem:$0x16400] =	vst v63  }
0x10: {  	_ =	swait.ge [sflag:s10], $0x6400  }
0x11: {  	[sflag:s10] =	ssyncset.done $0x0  }
0x12: {  	s21 =	simm.s32 $0x0;
	[sflag:s10] =	ssyncadd.s32 $0xFFFF9C00  }
0x13: {  	v0 =	vld [tilespmem:s21+$0x70]  }
0x14: {  	v2 =	vld [tilespmem:s21+$0x60]  }
0x15: {  	v4 =	vld [tilespmem:s21+$0xE0]  }
0x16: {  	v5 =	vld [tilespmem:s21+$0x20]  }
0x17: {  	v6 =	vld [tilespmem:s21+$0x0]  }
0x18: {  	v1 =	vld [tilespmem:s21+$0x50];
	v0 =	vadd.s32 $0x1, v0  }
0x19: {  	v53 =	vld [tilespmem:s21+$0x90];
	v2 =	vadd.s32 $0x1, v2;
	[tilespmem:s21+$0x70] =	vst v0  }
0x1a: {  	v7 =	vld [tilespmem:s21+$0x40];
	v4 =	vadd.s32 $0x1, v4;
	[tilespmem:s21+$0x60] =	vst v2  }
0x1b: {  	v3 =	vld [tilespmem:s21+$0x10];
	v5 =	vadd.s32 $0x1, v5;
	[tilespmem:s21+$0xE0] =	vst v4  }
0x1c: {  	v60 =	vld [tilespmem:s21+$0xF0];
	v54 =	vadd.s32 $0x1, v6;
	[tilespmem:s21+$0x20] =	vst v5  }
0x1d: {  	v8 =	vld [tilespmem:s21+$0x30];
	v1 =	vadd.s32 $0x1, v1;
	[tilespmem:s21+$0x0] =	vst v54  }
0x1e: {  	v52 =	vld [tilespmem:s21+$0x80];
	v57 =	vadd.s32 $0x1, v53;
	[tilespmem:s21+$0x50] =	vst v1  }
0x1f: {  	v55 =	vld [tilespmem:s21+$0xD0];
	v59 =	vadd.s32 $0x1, v7;
	[tilespmem:s21+$0x90] =	vst v57  }
0x20: {  	v56 =	vld [tilespmem:s21+$0xC0];
	v3 =	vadd.s32 $0x1, v3;
	[tilespmem:s21+$0x40] =	vst v59  }
0x21: {  	v58 =	vld [tilespmem:s21+$0xB0];
	v62 =	vadd.s32 $0x1, v60;
	[tilespmem:s21+$0x10] =	vst v3  }
0x22: {  	v61 =	vld [tilespmem:s21+$0xA0];
	v63 =	vadd.s32 $0x1, v8;
	[tilespmem:s21+$0xF0] =	vst v62  }
0x23: {  	v0 =	vadd.s32 $0x1, v52;
	[tilespmem:s21+$0x30] =	vst v63  }
0x24: {  	v5 =	vadd.s32 $0x1, v55;
	[tilespmem:s21+$0x80] =	vst v0  }
0x25: {  	v4 =	vadd.s32 $0x1, v56;
	[tilespmem:s21+$0xD0] =	vst v5  }
0x26: {  	v1 =	vadd.s32 $0x1, v58;
	[tilespmem:s21+$0xC0] =	vst v4  }
0x27: {  	p0 =	por $0x0, $0x0;
	[tilespmem:s21+$0xB0] =	vst v1;
	v0 =	vadd.s32 $0x1, v61  }
0x28: {  	s22 =	simm.s32 @p0 $0x3;
	[tilespmem:s21+$0xA0] =	vst v0  }
0x29: {  	_ =	swait.ge @p0 [sflag:s22], $0x8000  }
0x2a: {  	[sflag:s22] =	ssyncset.done @p0 $0x0  }
0x2b: {  	s24 =	simm.s32 @p0 $0x6400;
	[sflag:s22] =	ssyncadd.s32 @p0 $0xFFFF8000;
	s22 =	simm.s32 @p0 $0x80  }
0x2c: {  	[tilespmem:s24], [sflag:$0x1] =	stream.indirect.gather @p0 [hbm4b:s3+s22], $0x80, s21, s22, $0xb8;
	[tilespmem:$0x16400] =	vst v63  }
0x2d: {  	s25 =	simm.s32 @p0 $0xA400;
	s26 =	simm.s32 @p0 $0x2;
	s24 =	simm.s32 $0x80  }
0x2e: {  	[tilespmem:s25], [sflag:$0x1] =	stream.indirect.gather @p0 [hbm4b:s3+s22], $0x80, s24, s22, $0xb8;
	[tilespmem:$0x16400] =	vst v63  }
0x2f: {  	s23 =	sadd.s32 @p0 $0xFFFFF000, s9;
	_ =	swait.ge @p0 [sflag:s26], $0x4000  }
0x30: {  	s28 =	simm.s32 @p0 $0xE400;
	s22 =	sand.u32 @p0 $0x1FFFF000, s23;
	[sflag:s26] =	ssyncset.done @p0 $0x0  }
0x31: {  	s25 =	simm.s32 @p0 $0x0;
	s23 =	sadd.s32 @p0 s4, s22;
	[sflag:s26] =	ssyncadd.s32 @p0 $0xFFFFC000  }
0x32: {  	[hbm4b:s23+s25] =	stream.linear.scatter @p0 [tilespmem:s28], [sflag:$0x4], $0x4000, $0x38;
	[tilespmem:$0x16400] =	vst v63  }
0x33: {  	_ =	swait.ge @p0 [sflag:s26], $0x4000  }
0x34: {  	s23 =	rddreg [dreg:$0x3];
	[sflag:s26] =	ssyncset.done @p0 $0x0  }
0x35: {  	[sflag:s26] =	ssyncadd.s32 @p0 $0xFFFFC000;
	s22 =	sadd.s32 @p0 s22, s23;
	s23 =	simm.s32 @p0 $0x12400  }
0x36: {  	[hbm4b:s22+s25] =	stream.linear.scatter @p0 [tilespmem:s23], [sflag:$0x4], $0x4000, $0x38;
	[tilespmem:$0x16400] =	vst v63  }
0x37: {  	s22 =	simm.s32 @!p0 $0x80;
	s23 =	simm.s32 @!p0 $0x6400  }
0x38: {  	[tilespmem:s23], [sflag:$0x1] =	stream.indirect.gather @!p0 [hbm4b:s3+s22], $0x80, s21, s22, $0xb8;
	[tilespmem:$0x16400] =	vst v63  }
0x39: {  	s25 =	smov.u32 s9;
	s23 =	simm.s32 @!p0 $0xA400  }
0x3a: {  	[tilespmem:s23], [sflag:$0x1] =	stream.indirect.gather @!p0 [hbm4b:s3+s22], $0x80, s24, s22, $0xb8;
	[tilespmem:$0x16400] =	vst v63  }
0x3b: {  	s24 =	simm.s32 $0x800;
	s23 =	simm.s32 $0x0;
	s22 =	smov.u32 s9  }
.LBB2_2:
0x3c: {  	v0 =	vld [tilespmem:s21+$0x1F0]  }
0x3d: {  	v1 =	vld [tilespmem:s21+$0x1E0]  }
0x3e: {  	v2 =	vld [tilespmem:s21+$0x1D0]  }
0x3f: {  	v3 =	vld [tilespmem:s21+$0x1C0]  }
0x40: {  	v4 =	vld [tilespmem:s21+$0x1B0]  }
0x41: {  	v5 =	vld [tilespmem:s21+$0x1A0];
	v0 =	vadd.s32 $0x1, v0  }
0x42: {  	v6 =	vld [tilespmem:s21+$0x190];
	v1 =	vadd.s32 $0x1, v1;
	[tilespmem:s21+$0x1F0] =	vst v0  }
0x43: {  	v37 =	vld [tilespmem:s21+$0x140];
	v2 =	vadd.s32 $0x1, v2;
	[tilespmem:s21+$0x1E0] =	vst v1  }
0x44: {  	v38 =	vld [tilespmem:s21+$0x130];
	v3 =	vadd.s32 $0x1, v3;
	[tilespmem:s21+$0x1D0] =	vst v2  }
0x45: {  	v39 =	vld [tilespmem:s21+$0x120];
	v4 =	vadd.s32 $0x1, v4;
	[tilespmem:s21+$0x1C0] =	vst v3  }
0x46: {  	v33 =	vld [tilespmem:s21+$0x180];
	v5 =	vadd.s32 $0x1, v5;
	[tilespmem:s21+$0x1B0] =	vst v4  }
0x47: {  	v34 =	vld [tilespmem:s21+$0x170];
	v6 =	vadd.s32 $0x1, v6;
	[tilespmem:s21+$0x1A0] =	vst v5  }
0x48: {  	v35 =	vld [tilespmem:s21+$0x160];
	v42 =	vadd.s32 $0x1, v37;
	[tilespmem:s21+$0x190] =	vst v6  }
0x49: {  	v36 =	vld [tilespmem:s21+$0x150];
	v43 =	vadd.s32 $0x1, v38;
	[tilespmem:s21+$0x140] =	vst v42  }
0x4a: {  	v40 =	vld [tilespmem:s21+$0x110];
	v44 =	vadd.s32 $0x1, v39;
	[tilespmem:s21+$0x130] =	vst v43  }
0x4b: {  	v41 =	vld [tilespmem:s21+$0x100];
	v0 =	vadd.s32 $0x1, v33;
	[tilespmem:s21+$0x120] =	vst v44  }
0x4c: {  	v1 =	vadd.s32 $0x1, v34;
	[tilespmem:s21+$0x180] =	vst v0  }
0x4d: {  	v2 =	vadd.s32 $0x1, v35;
	[tilespmem:s21+$0x170] =	vst v1  }
0x4e: {  	v3 =	vadd.s32 $0x1, v36;
	[tilespmem:s21+$0x160] =	vst v2  }
0x4f: {  	[tilespmem:s21+$0x150] =	vst v3;
	v0 =	vadd.s32 $0x1, v40  }
0x50: {  	s26 =	smov.u32 s24;
	p1 =	seq.s32 s23, $0x0;
	v1 =	vadd.s32 $0x1, v41;
	[tilespmem:s21+$0x110] =	vst v0  }
0x51: {  	s23 =	smov.u32 s26;
	s26 =	simm.s32 @!p1 $0x4;
	[tilespmem:s21+$0x100] =	vst v1  }
0x52: {  	_ =	swait.ge @!p1 [sflag:s26], $0x8000  }
0x53: {  	[sflag:s26] =	ssyncset.done @!p1 $0x0  }
0x54: {  	s28 =	sadd.s32 $0x100, s21;
	[sflag:s26] =	ssyncadd.s32 @!p1 $0xFFFF8000  }
0x55: {  	[tilespmem:s12], [sflag:$0x2] =	stream.indirect.gather [hbm4b:s3+s11], $0x80, s28, s11, $0xb8;
	[tilespmem:$0x16400] =	vst v63  }
0x56: {  	s30 =	sadd.s32 $0x180, s21  }
0x57: {  	[tilespmem:s13], [sflag:$0x2] =	stream.indirect.gather [hbm4b:s3+s11], $0x80, s30, s11, $0xb8;
	[tilespmem:$0x16400] =	vst v63  }
0x58: {  	_ =	swait.ge [sflag:s14], $0x4000  }
0x59: {  	[sflag:s14] =	ssyncset.done $0x0  }
0x5a: {  	s31 =	sadd.s32 s22, s4;
	[sflag:s14] =	ssyncadd.s32 $0xFFFFC000  }
0x5b: {  	[hbm4b:s31+s2] =	stream.linear.scatter [tilespmem:s15], [sflag:$0x3], $0x4000, $0x38;
	[tilespmem:$0x16400] =	vst v63  }
0x5c: {  	_ =	swait.ge [sflag:s14], $0x4000  }
0x5d: {  	[sflag:s14] =	ssyncset.done $0x0  }
0x5e: {  	s21 =	sshra.s32 s23, $0x2;
	s26 =	sadd.s32 $0x800, s31;
	[sflag:s14] =	ssyncadd.s32 $0xFFFFC000  }
0x5f: {  	[hbm4b:s26+s2] =	stream.linear.scatter [tilespmem:s16], [sflag:$0x3], $0x4000, $0x38;
	[tilespmem:$0x16400] =	vst v63  }
0x60: {  	v45 =	vld [tilespmem:s21+$0x70]  }
0x61: {  	v47 =	vld [tilespmem:s21+$0x60]  }
0x62: {  	v49 =	vld [tilespmem:s21+$0xE0]  }
0x63: {  	v50 =	vld [tilespmem:s21+$0x20]  }
0x64: {  	v51 =	vld [tilespmem:s21+$0x0]  }
0x65: {  	v46 =	vld [tilespmem:s21+$0x50];
	v0 =	vadd.s32 $0x1, v45  }
0x66: {  	v53 =	vld [tilespmem:s21+$0x90];
	v2 =	vadd.s32 $0x1, v47;
	[tilespmem:s21+$0x70] =	vst v0  }
0x67: {  	v7 =	vld [tilespmem:s21+$0x40];
	v4 =	vadd.s32 $0x1, v49;
	[tilespmem:s21+$0x60] =	vst v2  }
0x68: {  	v48 =	vld [tilespmem:s21+$0x10];
	v5 =	vadd.s32 $0x1, v50;
	[tilespmem:s21+$0xE0] =	vst v4  }
0x69: {  	v62 =	vld [tilespmem:s21+$0xA0];
	v54 =	vadd.s32 $0x1, v51;
	[tilespmem:s21+$0x20] =	vst v5  }
0x6a: {  	v8 =	vld [tilespmem:s21+$0x30];
	v1 =	vadd.s32 $0x1, v46;
	[tilespmem:s21+$0x0] =	vst v54  }
0x6b: {  	v52 =	vld [tilespmem:s21+$0x80];
	v58 =	vadd.s32 $0x1, v53;
	[tilespmem:s21+$0x50] =	vst v1  }
0x6c: {  	v55 =	vld [tilespmem:s21+$0xD0];
	v57 =	vadd.s32 $0x1, v7;
	[tilespmem:s21+$0x90] =	vst v58  }
0x6d: {  	v56 =	vld [tilespmem:s21+$0xC0];
	v3 =	vadd.s32 $0x1, v48;
	[tilespmem:s21+$0x40] =	vst v57  }
0x6e: {  	v59 =	vld [tilespmem:s21+$0xB0];
	v63 =	vadd.s32 $0x1, v62;
	[tilespmem:s21+$0x10] =	vst v3  }
0x6f: {  	v61 =	vld [tilespmem:s21+$0xF0];
	v60 =	vadd.s32 $0x1, v8;
	[tilespmem:s21+$0xA0] =	vst v63  }
0x70: {  	v0 =	vadd.s32 $0x1, v52;
	[tilespmem:s21+$0x30] =	vst v60  }
0x71: {  	v5 =	vadd.s32 $0x1, v55;
	[tilespmem:s21+$0x80] =	vst v0  }
0x72: {  	v4 =	vadd.s32 $0x1, v56;
	[tilespmem:s21+$0xD0] =	vst v5  }
0x73: {  	v1 =	vadd.s32 $0x1, v59;
	[tilespmem:s21+$0xC0] =	vst v4  }
0x74: {  	p1 =	sne.s32 s23, $0x0;
	[tilespmem:s21+$0xB0] =	vst v1;
	v0 =	vadd.s32 $0x1, v61  }
0x75: {  	s26 =	simm.s32 @p1 $0x3;
	[tilespmem:s21+$0xF0] =	vst v0  }
0x76: {  	s25 =	sadd.s32 $0x2000, s25;
	_ =	swait.ge @p1 [sflag:s26], $0x8000  }
0x77: {  	s28 =	sadd.s32 @p1 $0xFFFFF000, s25;
	[sflag:s26] =	ssyncset.done @p1 $0x0  }
0x78: {  	s30 =	simm.s32 @p1 $0x6400;
	[sflag:s26] =	ssyncadd.s32 @p1 $0xFFFF8000;
	s26 =	simm.s32 @p1 $0x80  }
0x79: {  	[tilespmem:s30], [sflag:$0x1] =	stream.indirect.gather @p1 [hbm4b:s3+s26], $0x80, s21, s26, $0xb8;
	[tilespmem:$0x16400] =	vst v63  }
0x7a: {  	s0 =	simm.s32 @p1 $0x2;
	s31 =	simm.s32 @p1 $0xA400;
	s30 =	sadd.s32 $0x80, s21  }
0x7b: {  	[tilespmem:s31], [sflag:$0x1] =	stream.indirect.gather @p1 [hbm4b:s3+s26], $0x80, s30, s26, $0xb8;
	[tilespmem:$0x16400] =	vst v63  }
0x7c: {  	s28 =	sand.u32 @p1 $0x1FFFF000, s28;
	_ =	swait.ge @p1 [sflag:s0], $0x4000  }
0x7d: {  	s29 =	sadd.s32 @p1 s4, s28;
	[sflag:s0] =	ssyncset.done @p1 $0x0  }
0x7e: {  	s26 =	simm.s32 @p1 $0x0;
	s31 =	simm.s32 @p1 $0xE400;
	[sflag:s0] =	ssyncadd.s32 @p1 $0xFFFFC000  }
0x7f: {  	[hbm4b:s29+s26] =	stream.linear.scatter @p1 [tilespmem:s31], [sflag:$0x4], $0x4000, $0x38;
	[tilespmem:$0x16400] =	vst v63  }
0x80: {  	s24 =	sadd.s32 $0x800, s24;
	_ =	swait.ge @p1 [sflag:s0], $0x4000  }
0x81: {  	p0 =	sne.s32 s24, $0x19000;
	s29 =	rddreg [dreg:$0x3];
	[sflag:s0] =	ssyncset.done @p1 $0x0  }
0x82: {  	[sflag:s0] =	ssyncadd.s32 @p1 $0xFFFFC000;
	s0 =	sadd.s32 @p1 s28, s29;
	s28 =	simm.s32 @p1 $0x12400  }
0x83: {  	[hbm4b:s0+s26] =	stream.linear.scatter @p1 [tilespmem:s28], [sflag:$0x4], $0x4000, $0x38;
	[tilespmem:$0x16400] =	vst v63  }
.Ltmp0:
0x84: {  	_ = 	snop;
	(pc) =	sbr.rel @p0 .LBB2_2-.Ltmp0, $4  }
0x85: {  	s0 =	simm.s32 @!p1 $0x80;
	s26 =	simm.s32 @!p1 $0x6400  }
0x86: {  	[tilespmem:s26], [sflag:$0x1] =	stream.indirect.gather @!p1 [hbm4b:s3+s0], $0x80, s21, s0, $0xb8;
	[tilespmem:$0x16400] =	vst v63  }
0x87: {  	s22 =	smov.u32 s25;
	s26 =	simm.s32 @!p1 $0xA400  }
0x88: {  	[tilespmem:s26], [sflag:$0x1] =	stream.indirect.gather @!p1 [hbm4b:s3+s0], $0x80, s30, s0, $0xb8;
	[tilespmem:$0x16400] =	vst v63  }
0x89: {  	v0 =	vld [tilespmem:s21+$0x1F0]  }
0x8a: {  	v1 =	vld [tilespmem:s21+$0x1E0]  }
0x8b: {  	v2 =	vld [tilespmem:s21+$0x1D0]  }
0x8c: {  	v3 =	vld [tilespmem:s21+$0x1C0]  }
0x8d: {  	v4 =	vld [tilespmem:s21+$0x1B0]  }
0x8e: {  	v5 =	vld [tilespmem:s21+$0x1A0];
	v0 =	vadd.s32 $0x1, v0  }
0x8f: {  	v6 =	vld [tilespmem:s21+$0x190];
	v41 =	vadd.s32 $0x1, v1;
	[tilespmem:s21+$0x1F0] =	vst v0  }
0x90: {  	v42 =	vld [tilespmem:s21+$0x180];
	v43 =	vadd.s32 $0x1, v2;
	[tilespmem:s21+$0x1E0] =	vst v41  }
0x91: {  	v44 =	vld [tilespmem:s21+$0x170];
	v45 =	vadd.s32 $0x1, v3;
	[tilespmem:s21+$0x1D0] =	vst v43  }
0x92: {  	v46 =	vld [tilespmem:s21+$0x160];
	v47 =	vadd.s32 $0x1, v4;
	[tilespmem:s21+$0x1C0] =	vst v45  }
0x93: {  	v48 =	vld [tilespmem:s21+$0x150];
	v49 =	vadd.s32 $0x1, v5;
	[tilespmem:s21+$0x1B0] =	vst v47  }
0x94: {  	v50 =	vld [tilespmem:s21+$0x140];
	v51 =	vadd.s32 $0x1, v6;
	[tilespmem:s21+$0x1A0] =	vst v49  }
0x95: {  	v52 =	vld [tilespmem:s21+$0x130];
	v53 =	vadd.s32 $0x1, v42;
	[tilespmem:s21+$0x190] =	vst v51  }
0x96: {  	v54 =	vld [tilespmem:s21+$0x120];
	v55 =	vadd.s32 $0x1, v44;
	[tilespmem:s21+$0x180] =	vst v53  }
0x97: {  	v56 =	vld [tilespmem:s21+$0x110];
	v57 =	vadd.s32 $0x1, v46;
	[tilespmem:s21+$0x170] =	vst v55  }
0x98: {  	v58 =	vld [tilespmem:s21+$0x100];
	v4 =	vadd.s32 $0x1, v48;
	[tilespmem:s21+$0x160] =	vst v57  }
0x99: {  	v59 =	vadd.s32 $0x1, v50;
	[tilespmem:s21+$0x150] =	vst v4  }
0x9a: {  	v60 =	vadd.s32 $0x1, v52;
	[tilespmem:s21+$0x140] =	vst v59  }
0x9b: {  	v61 =	vadd.s32 $0x1, v54;
	[tilespmem:s21+$0x130] =	vst v60  }
0x9c: {  	v62 =	vadd.s32 $0x1, v56;
	[tilespmem:s21+$0x120] =	vst v61  }
0x9d: {  	p0 =	seq.s32 s23, $0x0;
	v63 =	vadd.s32 $0x1, v58;
	[tilespmem:s21+$0x110] =	vst v62  }
0x9e: {  	s0 =	simm.s32 @!p0 $0x4;
	[tilespmem:s21+$0x100] =	vst v63  }
0x9f: {  	_ =	swait.ge @!p0 [sflag:s0], $0x8000  }
0xa0: {  	[sflag:s0] =	ssyncset.done @!p0 $0x0  }
0xa1: {  	s29 =	sadd.s32 $0x100, s21;
	[sflag:s0] =	ssyncadd.s32 @!p0 $0xFFFF8000  }
0xa2: {  	[tilespmem:s12], [sflag:$0x2] =	stream.indirect.gather [hbm4b:s3+s11], $0x80, s29, s11, $0xb8;
	[tilespmem:$0x16400] =	vst v63  }
0xa3: {  	s30 =	sadd.s32 $0x180, s21  }
0xa4: {  	[tilespmem:s13], [sflag:$0x2] =	stream.indirect.gather [hbm4b:s3+s11], $0x80, s30, s11, $0xb8;
	[tilespmem:$0x16400] =	vst v63  }
0xa5: {  	_ =	swait.ge [sflag:s14], $0x4000  }
0xa6: {  	[sflag:s14] =	ssyncset.done $0x0  }
0xa7: {  	s31 =	sadd.s32 s22, s4;
	[sflag:s14] =	ssyncadd.s32 $0xFFFFC000  }
0xa8: {  	[hbm4b:s31+s2] =	stream.linear.scatter [tilespmem:s15], [sflag:$0x3], $0x4000, $0x38;
	[tilespmem:$0x16400] =	vst v63  }
0xa9: {  	_ =	swait.ge [sflag:s14], $0x4000  }
0xaa: {  	[sflag:s14] =	ssyncset.done $0x0  }
0xab: {  	s0 =	sadd.s32 $0x800, s31;
	[sflag:s14] =	ssyncadd.s32 $0xFFFFC000  }
0xac: {  	[hbm4b:s0+s2] =	stream.linear.scatter [tilespmem:s16], [sflag:$0x3], $0x4000, $0x38;
	[tilespmem:$0x16400] =	vst v63  }
0xad: {  	_ =	swait.ge [sflag:s17], $0x4000  }
0xae: {  	[sflag:s17] =	ssyncset.done $0x0  }
0xaf: {  	[sflag:s17] =	ssyncadd.s32 $0xFFFFC000  }
0xb0: {  	[hbm4b:s6+s2] =	stream.linear.scatter [tilespmem:s12], [sflag:$0x4], $0x4000, $0x38;
	[tilespmem:$0x16400] =	vst v63  }
0xb1: {  	_ =	swait.ge [sflag:s17], $0x4000  }
0xb2: {  	[sflag:s17] =	ssyncset.done $0x0  }
0xb3: {  	s20 =	sadd.s32 $0x1, s20;
	[sflag:s17] =	ssyncadd.s32 $0xFFFFC000  }
0xb4: {  	[hbm4b:s7+s2] =	stream.linear.scatter [tilespmem:s13], [sflag:$0x4], $0x4000, $0x38;
	[tilespmem:$0x16400] =	vst v63  }
0xb5: {  	p0 =	sne.s32 s20, s8;
	_ =	swait.ge [sflag:s18], $0x8000  }
.Ltmp1:
0xb6: {  	[sflag:s18] =	ssyncset.done $0x0;
	(pc) =	sbr.rel @p0 .LBB2_1-.Ltmp1, $4  }
0xb7: {  	[sflag:s18] =	ssyncadd.s32 $0xFFFF8000  }
0xb8: {  	_ =	swait.ge [sflag:s19], $0x8000  }
0xb9: {  	[sflag:s19] =	ssyncset.done $0x0  }
0xba: {  	[sflag:s19] =	ssyncadd.s32 $0xFFFF8000  }
0xbb: {  	_ =	sfence.sel $0x180000  }
0xbc: {  	[bflag:$0x0] =	sbarrier.arrive $0xFFFF  }
0xbd: {  	_ =	strace $0x90000047  }
0xbe: {  	[bflag:$0x2] =	sbarrier.arrive $0xFFFF  }
0xbf: {  	p0 =	sne.s32 s1, $0x0;
	s0 =	rddreg [dreg:$0x2]  }
0xc0: {  	s0 =	sadd.s32 @!p0 $0x100000, s0  }
0xc1: {  	[sflag:s0] =	ssyncadd.tile.s32 @!p0 $0x1;
	_ =	shalt  }
.Lfunc_end2:
_tile_overlayer_lowered:
.L_overlay_start_2:
0xc2: {  	(tag) =	ssettag $0x2  }
0xc3: {  	s0 =	rddreg [dreg:$0x0];
	s2 =	stileid.u32  }
0xc4: {  	s1 =	rddreg [dreg:$0x1];
	p0 =	sne.s32 s2, $0x0  }
0xc5: {  	s3 =	rddreg [dreg:$0x2];
	[bflag:$0x3] =	sbarrier.arrive $0xFFFF;
	s2 =	simm.s32 @!p0 $0x1C05  }
0xc6: {  	[timem:s3], [sflag:s2] =	dma.local @!p0 [hbm:s0], s1  }
0xc7: {  	s0 =	simm.s32 @!p0 $0x5  }
0xc8: {  	_ =	swait.ge @!p0 [sflag:s0], s1  }
0xc9: {  	s1 =	ssub.s32 @!p0 $0x0, s1;
	[sflag:s0] =	ssyncset.done @!p0 $0x0  }
0xca: {  	[sflag:s0] =	ssyncadd.s32 @!p0 s1  }
0xcb: {  	[bflag:$0x3] =	sbarrier.arrive $0xFFFF  }
0xcc: {  	_ =	shalt  }

// kernel: sparse-core-data-format-call.cloned.1.call-start
scs
called_computation_lowered:
.L_overlay_start_0:
0x0: {  	s2 =	sld [smem:$0x3FD9]  }
0x1: {  	s3 =	sld [smem:$0x3FFE];
	_ =	sdelay $0x1  }
0x2: {  	s1 =	srdreg.scid  }
0x3: {  	s0 =	sand.u32 $0x1, s1  }
0x4: {  	s18 =	sshll.u32 s0, $0xA;
	s2 =	sadd.s32 s3, s2  }
0x5: {  	s2 =	sadd.s32 s2, s18  }
0x6: {  	[smem:$0x3FC6] =	sst s2  }
0x7: {  	_ = 	snop  }
0x8: {  	s2 =	sld [smem:$0x3FD0];
	(tm) =	ssettm $0x1  }
0x9: {  	s19 =	sld [smem:$0x3FFB];
	_ =	sdelay $0x3  }
0xa: {  	_ =	strace s19  }
0xb: {  	s3 =	sld [smem:$0x3FFC];
	_ =	sdelay $0x3  }
0xc: {  	_ =	strace s3  }
0xd: {  	s3 =	sld [smem:$0x3FFD];
	_ =	sdelay $0x3  }
0xe: {  	_ =	strace s3  }
0xf: {  	_ =	strace $0x8FFFFFFF  }
0x10: {  	s20 =	sld [smem:$0x3FDB];
	_ =	sdelay $0x1  }
0x11: {  	s4 =	simm.s32 $_scs_section_size  }
0x12: {  	s5 =	simm.s32 $_size__tile_overlayer_lowered;
	s6 =	simm.s32 $_tile_overlayer_lowered  }
0x13: {  	s23 =	simm.s32 $0x1BFF;
	s22 =	sshll.u32 s6, $0x1;
	s3 =	sadd.s32 s4, s20  }
0x14: {  	s7 =	simm.s32 $0x0;
	s21 =	sshll.u32 s5, $0x1;
	s5 =	sadd.s32 s22, s3  }
0x15: {  	[timem:s7], [sflag:s23] =	dma.local [hbm:s5], s21  }
0x16: {  	_ =	swait.ge [sflag:s23], s21  }
0x17: {  	s4 =	ssub.s32 $0x0, s21;
	[sflag:s23] =	ssyncset.done $0x0  }
0x18: {  	[sflag:s23] =	ssyncadd.s32 s4;
	_ =	sdelay $0x1  }
0x19: {  	s24 =	simm.s32 $0x1B8B  }
0x1a: {  	_ =	swait.ge [sflag:s24], $0x1  }
0x1b: {  	[sflag:s24] =	ssyncset.done $0x0  }
0x1c: {  	s26 =	simm.s32 $0x1B8E;
	s25 =	sld [smem:$0x3FFE];
	[sflag:s24] =	ssyncadd.s32 $0xFFFFFFFF  }
0x1d: {  	s27 =	simm.s32 $execute0_lowered;
	[smem:$0x3FD2] =	sst s26  }
0x1e: {  	s5 =	sshll.u32 s27, $0x1;
	_ =	strace $0x80000049;
	[dreg:$0x1] =	wrdreg $0xFFFFFFFF  }
0x1f: {  	s28 =	simm.s32 $_size_execute0_lowered;
	s3 =	sadd.s32 s3, s5;
	[dreg:$0x0] =	wrdreg $0x0  }
0x20: {  	s5 =	sshll.u32 s28, $0x1;
	[dreg:$0x2] =	wrdreg s3  }
0x21: {  	[dreg:$0x3] =	wrdreg s5  }
0x22: {  	[dreg:$0x4] =	wrdreg $0xC0  }
0x23: {  	_ =	task [dreg:s7], $0x5FFFF  }
0x24: {  	[dreg:$0x1] =	wrdreg $0xFFFFFFFF  }
0x25: {  	[dreg:$0x0] =	wrdreg $0x60  }
0x26: {  	[dreg:$0x2] =	wrdreg s25  }
0x27: {  	[dreg:$0x3] =	wrdreg s2  }
0x28: {  	[dreg:$0x4] =	wrdreg $0x9  }
0x29: {  	_ =	task.clear_ibuf [dreg:s7], $0x5FFFF;
	_ =	strace $0x90000049  }
0x2a: {  	s29 =	simm.s32 $0x9;
	_ =	strace $0x8000004B  }
0x2b: {  	_ =	swait.ge [sflag:s29], $0x1  }
0x2c: {  	[sflag:s29] =	ssyncadd.s32 $0xFFFFFFFF  }
0x2d: {  	_ =	strace $0x9000004B  }
0x2e: {  	_ =	sfence  }
0x2f: {  	s30 =	sld [smem:$0x0];
	_ =	sdelay $0x2  }
0x30: {  	s31 =	sshll.u32 s1, $0xD;
	s1 =	sshrl.u32 s1, $0x2  }
0x31: {  	s3 =	sand.u32 $0x4000, s31;
	s1 =	sadd.s32 s1, s30  }
0x32: {  	s0 =	sor.u32 s3, s0;
	s1 =	sshll.u32 s1, $0x11  }
0x33: {  	s0 =	sor.u32 s1, s0  }
0x34: {  	s0 =	sadd.s32 $0x8F2B, s0  }
0x35: {  	[sflag:s0] =	ssyncadd.remote.s32 $0x1  }
0x36: {  	_ =	sfence.sel $0xFFFF  }
0x37: {  	[dreg:$0x0] =	wrdreg $0xFFFFFFFF;
	(pc) =	sbr.abs _section_cstart, $3  }
0x38: {  	[dreg:$0x1] =	wrdreg $0xFFFFFFFF  }
0x39: {  	_ =	task.clear_ibuf [dreg:s7], $0x2FFFF;
	_ =	strace $0x9FFFFFFF  }
0x3a: {  	(tm) =	ssettm $0x7FFFFFFF  }
0x3b: {  	_ =	shalt  }
tec
execute0_lowered:
.L_overlay_start_1:
0x0: {  	(tag) =	ssettag $0x1  }
0x1: {  	s0 =	srdreg.scid  }
0x2: {  	s1 =	sshll.u32 s0, $0x4  }
0x3: {  	s0 =	stileid.u32;
	s1 =	sand.u32 $0x10, s1  }
0x4: {  	s1 =	sor.u32 s0, s1  }
0x5: {  	s6 =	rddreg [dreg:$0x0];
	s4 =	simm.s32 $0x1;
	s2 =	sshll.u32 s1, $0x7  }
0x6: {  	s7 =	simm.s32 $0x2;
	s12 =	simm.s32 $0x0;
	s1 =	ssub.s32 $0x1000, s2  }
0x7: {  	s8 =	simm.s32 $0x8000;
	s13 =	simm.s32 $0x0;
	s3 =	sand.u32 $0xF80, s1  }
0x8: {  	s9 =	simm.s32 $0x0;
	s5 =	sshrl.u32 s1, $0xC;
	p0 =	sne.s32 s3, $0x0  }
.Ltmp0:
0x9: {  	s1 =	rddreg [dreg:$0x2];
	s4 =	simm.s32 @!p0 $0x0;
	(pc) =	sbr.rel .LBB1_1-.Ltmp0, $4  }
0xa: {  	s11 =	simm.s32 $0x0;
	s3 =	rddreg [dreg:$0x1];
	s5 =	sadd.s32 s4, s5  }
0xb: {  	_ =	strace $0x8000004A;
	s4 =	simm.s32 $0x1;
	s5 =	smul.u32 $0xC8, s5  }
0xc: {  	s6 =	sadd.s32 $0xA00, s6;
	s10 =	smov.u32 s2;
	[sflag:s4] =	ssyncpa.u1 $0x0  }
0xd: {  	p0 =	por $0x0, $0x0;
	[sflag:s7] =	ssyncpa.u1 $0x0;
	s7 =	sor.u32 $0x1, s5  }
.LBB1_4:
0xe: {  	s16 =	sshll.u32 s13, $0x3;
	s17 =	sand.u32 $0x78, s13  }
0xf: {  	s30 =	sand.u32 $0x7E00, s13;
	s12 =	sshll.u32 s12, $0xF;
	s16 =	sand.u32 $0xC00, s16  }
0x10: {  	[tilespmem:s15+$0x810 ss:$0x81] =	vst.msk $0xffff, v2;
	s31 =	sand.u32 $0x7, s13;
	s16 =	sor.u32 s17, s16;
	s17 =	sadd.s32 s3, s30  }
0x11: {  	[tilespmem:s15+$0x1020 ss:$0x81] =	vst.msk $0xffff, v0;
	s13 =	sshll.u32 s31, $0x12;
	s12 =	sadd.s32 s12, s17;
	s16 =	sshrl.u32 s16, $0x3  }
0x12: {  	[tilespmem:s15+$0x0 ss:$0x81] =	vst.msk $0xffff, v1;
	s13 =	sor.u32 $0x400, s13;
	s12 =	sadd.s32 s16, s12  }
0x13: {  	[hbm4b:s12+s13] =	stream.strided.scatter [tilespmem:s14], [sflag:$0x2], $0x2000, s8, s13, $0x20;
	[tilespmem:$0x8080] =	vst v63  }
.LBB1_5:
0x14: {  	s14 =	sadd.s32 $0x1, s9  }
0x15: {  	s12 =	sadd.s32 $0x1000, s10;
	s16 =	smov.u32 s10;
	p2 =	sgt.s32 s14, $0xC7  }
0x16: {  	s16 =	smov.u32 @p2 s12  }
0x17: {  	s14 =	simm.s32 @p2 $0x0;
	p2 =	sgt.s32 s16, $0xFFF  }
0x18: {  	s16 =	smov.u32 @p2 s2;
	p2 =	sne.s32 s11, s7  }
.Ltmp1:
0x19: {  	p1 =	slt.u32 s11, $0x2;
	(pc) =	sbr.rel @!p2 .LBB1_6-.Ltmp1, $4  }
0x1a: {  	s15 =	simm.s32 @!p1 $0x2  }
0x1b: {  	s13 =	smov.u32 s10;
	p0 =	por !p0, !p0;
	_ =	swait.ge @!p1 [sflag:s15], $0x2000  }
0x1c: {  	s12 =	smov.u32 s9;
	[sflag:s15] =	ssyncset.done @!p1 $0x0;
	s9 =	smov.u32 s14  }
0x1d: {  	s11 =	sadd.s32 $0x1, s11;
	[sflag:s15] =	ssyncadd.s32 @!p1 $0xFFFFE000;
	s10 =	smov.u32 s16  }
.LBB1_1:
0x1e: {  	p1 =	sge.u32 s11, s5  }
0x1f: {  	s14 =	sand.u32 @!p1 $0x1FFFFFF, s9  }
0x20: {  	s15 =	smulhi.u32 @!p1 $0x147AE15, s14;
	_ =	sdelay $0x1  }
0x21: {  	s15 =	smul.u32 @!p1 $0xC8, s15  }
0x22: {  	s16 =	sxor.u32 @!p1 $0xFFFFFFFF, s11;
	s17 =	smul.u32 @!p1 $0xC80, s10  }
0x23: {  	s31 =	sadd.s32 $0xFFFFFFFF, s11;
	s16 =	sshll.u32 @!p1 s16, $0xD;
	s14 =	ssub.s32 @!p1 s14, s15  }
0x24: {  	s15 =	sand.u32 @!p1 $0x2000, s16;
	s16 =	sadd.s32 @!p1 s6, s17;
	s14 =	sshll.u32 @!p1 s14, $0x4  }
0x25: {  	s17 =	simm.s32 @!p1 $0x6400;
	s14 =	sadd.s32 @!p1 s14, s16;
	s16 =	simm.s32 @!p1 $0x40  }
0x26: {  	[tilespmem:s15], [sflag:$0x1] =	stream.strided.gather @!p1 [hbm4b:s14+s16], $0x2000, s17, s16, $0x38;
	[tilespmem:$0x8080] =	vst v63  }
0x27: {  	p1 =	sge.u32 s31, s5  }
.Ltmp2:
0x28: {  	_ = 	snop;
	(pc) =	sbr.rel @p1 .LBB1_5-.Ltmp2, $1  }
0x29: {  	_ =	sdelay $0x3  }
0x2a: {  	s14 =	simm.s32 $0x1  }
0x2b: {  	_ =	swait.ge [sflag:s4], $0x2000;
	s14 =	simm.s32 @!p0 $0x0  }
0x2c: {  	[sflag:s4] =	ssyncset.done $0x0;
	s15 =	sshll.u32 s14, $0xD  }
0x2d: {  	[sflag:s4] =	ssyncadd.s32 $0xFFFFE000;
	s18 =	sor.u32 $0x20, s15  }
0x2e: {  	s14 =	smul.u32 $0x8100, s14;
	v3 =	vld [tilespmem:s18+$0x10]  }
0x2f: {  	s30 =	sand.u32 $0x1, s11;
	v2 =	vld [tilespmem:s18+$0xFFFFFFF0]  }
0x30: {  	s15 =	smul.u32 $0x8100, s30;
	s14 =	sshrl.u32 s14, $0x2;
	v0 =	vld [tilespmem:s18+$0x0]  }
0x31: {  	v1 =	vld [tilespmem:s18+$0xFFFFFFE0];
	s16 =	sor.u32 $0x4000, s14  }
0x32: {  	s31 =	sshrl.u32 s15, $0x2;
	s15 =	sadd.s32 $0x0, s16  }
0x33: {  	s17 =	simm.s32 $0x4;
	s18 =	sadd.s32 $0x40, s18;
	s14 =	sor.u32 $0x4000, s31;
	[tilespmem:s15+$0x1830 ss:$0x81] =	vst.msk $0xffff, v3  }
.LBB1_3:
0x34: {  	v3 =	vld [tilespmem:s18+$0x10];
	p1 =	sne.s32 s17, $0x1FC;
	[tilespmem:s15+$0x810 ss:$0x81] =	vst.msk $0xffff, v2;
	s19 =	smov.u32 s17;
	s17 =	sadd.s32 $0x4, s17  }
.Ltmp3:
0x35: {  	v2 =	vld [tilespmem:s18+$0xFFFFFFF0];
	[tilespmem:s15+$0x1020 ss:$0x81] =	vst.msk $0xffff, v0;
	(pc) =	sbr.rel @p1 .LBB1_3-.Ltmp3, $4  }
0x36: {  	v0 =	vld [tilespmem:s18+$0x0];
	[tilespmem:s15+$0x0 ss:$0x81] =	vst.msk $0xffff, v1  }
0x37: {  	s15 =	sshra.s32 s19, $0x2;
	v1 =	vld [tilespmem:s18+$0xFFFFFFE0]  }
0x38: {  	s15 =	sadd.s32 s15, s16  }
0x39: {  	s18 =	sadd.s32 $0x40, s18;
	[tilespmem:s15+$0x1830 ss:$0x81] =	vst.msk $0xffff, v3  }
.Ltmp4:
0x3a: {  	_ = 	snop;
	(pc) =	sbr.rel .LBB1_4-.Ltmp4, $1  }
0x3b: {  	_ =	sdelay $0x3  }
.LBB1_6:
0x3c: {  	_ =	sfence.sel $0x180000  }
0x3d: {  	s2 =	simm.s32 $0x1;
	[bflag:$0x0] =	sbarrier.arrive $0xFFFF  }
0x3e: {  	s31 =	simm.s32 $0x2;
	[sflag:s2] =	ssyncpa.u1 $0x1  }
0x3f: {  	[sflag:s31] =	ssyncpa.u1 $0x1  }
0x40: {  	p0 =	sne.s32 s0, $0x0;
	_ =	strace $0x9000004A  }
0x41: {  	s0 =	sadd.s32 @!p0 $0x100000, s1;
	[bflag:$0x2] =	sbarrier.arrive $0xFFFF  }
0x42: {  	[sflag:s0] =	ssyncadd.tile.s32 @!p0 $0x1;
	_ =	shalt  }
.Lfunc_end1:
_tile_overlayer_lowered:
.L_overlay_start_2:
0x43: {  	(tag) =	ssettag $0x2  }
0x44: {  	s0 =	rddreg [dreg:$0x0];
	s2 =	stileid.u32  }
0x45: {  	s1 =	rddreg [dreg:$0x1];
	p0 =	sne.s32 s2, $0x0  }
0x46: {  	s3 =	rddreg [dreg:$0x2];
	[bflag:$0x3] =	sbarrier.arrive $0xFFFF;
	s2 =	simm.s32 @!p0 $0x1C01  }
0x47: {  	[timem:s3], [sflag:s2] =	dma.local @!p0 [hbm:s0], s1  }
0x48: {  	s0 =	simm.s32 @!p0 $0x1  }
0x49: {  	_ =	swait.ge @!p0 [sflag:s0], s1  }
0x4a: {  	s1 =	ssub.s32 @!p0 $0x0, s1;
	[sflag:s0] =	ssyncset.done @!p0 $0x0  }
0x4b: {  	[sflag:s0] =	ssyncadd.s32 @!p0 s1  }
0x4c: {  	[bflag:$0x3] =	sbarrier.arrive $0xFFFF  }
0x4d: {  	_ =	shalt  }

</sc_bundles>
